<compile_context>
chip_gen: v7x
topology: tpu7x:2x2x1
jax: 0.10.2.dev20260603
libtpu: 0.0.44.dev20260713+nightly
codegen_flags: <defaults>
</compile_context>

<pallas_src>
import functools

import jax
import jax.numpy as jnp
from jax import lax
from jax.experimental import pallas as pl
from jax.experimental.pallas import tpu as pltpu
from jax.experimental.pallas import tpu_sc as plsc

BATCH = 4096
NUM_ANT = 200
DIM = 64
B = BATCH * NUM_ANT
NC, NS = 2, 16
NW = NC * NS
RPS = 128
K = 5
BLOCK = K * RPS
B_PER_W = B // NW
NBLK = B_PER_W // BLOCK
IDX_ROWS = B_PER_W // RPS


@functools.cache
def _build():
    mesh = plsc.VectorSubcoreMesh(core_axis_name="c", subcore_axis_name="s")

    @functools.partial(
        pl.kernel,
        out_type=jax.ShapeDtypeStruct((B, DIM), jnp.float32),
        mesh=mesh,
        scratch_types=[
            pltpu.VMEM((IDX_ROWS, RPS), jnp.int32),
            pltpu.VMEM((BLOCK, DIM), jnp.float32),
            pltpu.VMEM((BLOCK, DIM), jnp.float32),
            pltpu.SemaphoreType.DMA,
            pltpu.SemaphoreType.DMA,
            pltpu.SemaphoreType.DMA,
            pltpu.SemaphoreType.DMA,
        ],
        compiler_params=pltpu.CompilerParams(use_tc_tiling_on_sc=False),
    )
    def _gather(table_hbm, idx_hbm, out_hbm, idx_v, rows0, rows1,
                sg0, sg1, so0, so1):
        rows_v = (rows0, rows1)
        sem_gat = (sg0, sg1)
        sem_out = (so0, so1)
        wid = lax.axis_index("s") * NC + lax.axis_index("c")
        row0 = wid * IDX_ROWS
        out0 = wid * B_PER_W

        def fire(g, b):
            for j in range(K):
                pltpu.async_copy(
                    table_hbm.at[idx_v.at[g * K + j]],
                    rows_v[b].at[pl.ds(j * RPS, RPS)],
                    sem_gat[b],
                )

        def wait_gat(b):
            pltpu.make_async_copy(
                out_hbm.at[pl.ds(0, BLOCK)], rows_v[b], sem_gat[b]
            ).wait()

        def writeback(g, b):
            pltpu.async_copy(
                rows_v[b], out_hbm.at[pl.ds(out0 + g * BLOCK, BLOCK)],
                sem_out[b],
            )

        def wait_out(b):
            pltpu.make_async_copy(
                rows_v[b], out_hbm.at[pl.ds(0, BLOCK)], sem_out[b]
            ).wait()

        pltpu.sync_copy(idx_hbm.at[pl.ds(row0, IDX_ROWS)], idx_v)

        fire(0, 0)
        fire(1, 1)
        wait_gat(0)
        writeback(0, 0)

        def body(t, carry):
            g = 2 + 2 * t
            wait_out(0)
            fire(g, 0)
            wait_gat(1)
            writeback(g - 1, 1)
            wait_out(1)
            fire(g + 1, 1)
            wait_gat(0)
            writeback(g, 0)
            return carry

        lax.fori_loop(0, (NBLK - 2) // 2, body, 0)

        wait_gat(1)
        writeback(NBLK - 1, 1)
        wait_out(0)
        wait_out(1)

    return _gather


def kernel(antenna_indices, embeddings):
    idx = antenna_indices.astype(jnp.int32).reshape(B // RPS, RPS)
    out = _build()(embeddings, idx)
    return out.reshape(BATCH, NUM_ANT, DIM)

# --- scband reference (transcript-rebuilt; emitter-appended) ---
"""Pipeline reference for scband-antenna-embedding-codebook-30897994728288 (READ-ONLY COPY).

The authoritative reference and input builder live on the scoring server;
editing this copy changes nothing except your own understanding.
"""

import jax, jax.numpy as jnp
import numpy as np

NUM_BS_ANTENNAS = 100000
EMBEDDING_DIM = 64
STD = 0.1

def setup_inputs(seed: int = 0) -> dict:
    key = jax.random.key(seed)
    k_idx, k_emb = jax.random.split(key)
    antenna_indices = jax.random.randint(k_idx, (4096, 200), 0, NUM_BS_ANTENNAS, dtype=jnp.int64 if jax.config.jax_enable_x64 else jnp.int32)
    embeddings = jax.random.normal(k_emb, (NUM_BS_ANTENNAS, EMBEDDING_DIM), dtype=jnp.float32) * STD
    return {"antenna_indices": antenna_indices, "embeddings": embeddings}

def reference(antenna_indices, embeddings):
    batch_size = antenna_indices.shape[0]
    num_antennas = antenna_indices.shape[1]
    flat_indices = antenna_indices.reshape(-1)
    emb = jnp.take(embeddings, flat_indices, axis=0)
    emb = emb.reshape(batch_size, num_antennas, EMBEDDING_DIM)
    # normalize=False, so no L2 normalization applied
    return emb

if __name__ == "__main__":
    import jax
    _d = setup_inputs()
    print(jax.jit(kernel)(*tuple(_d.values())))

</pallas_src>

<mosaic_0001>
#map = affine_map<(d0, d1) -> (0, 0)>
module attributes {stable_mosaic.version = 14 : i64} {
  func.func @_gather(%arg0: i32, %arg1: i32, %arg2: memref<100000x64xf32, #tpu.memory_space<hbm>>, %arg3: memref<6400x128xi32, #tpu.memory_space<hbm>>, %arg4: memref<819200x64xf32, #tpu.memory_space<hbm>>, %arg5: memref<200x128xi32, #tpu.memory_space<vmem>>, %arg6: memref<640x64xf32, #tpu.memory_space<vmem>>, %arg7: memref<640x64xf32, #tpu.memory_space<vmem>>, %arg8: memref<!tpu.dma_semaphore, #tpu.memory_space<semaphore_mem>>, %arg9: memref<!tpu.dma_semaphore, #tpu.memory_space<semaphore_mem>>, %arg10: memref<!tpu.dma_semaphore, #tpu.memory_space<semaphore_mem>>, %arg11: memref<!tpu.dma_semaphore, #tpu.memory_space<semaphore_mem>>) attributes {dimension_semantics = [#tpu.dimension_semantics<core_parallel>, #tpu.dimension_semantics<subcore_parallel>], iteration_bounds = array<i64: 2, 16>, scalar_prefetch = 0 : i64, scratch_operands = 7 : i64, tpu.core_type = #tpu.core_type<sc_vector_subcore>, window_params = [{transform_indices = #map}, {transform_indices = #map}, {transform_indices = #map}]} {
    %mul3A = arith.constant 2 : i32
    %mul3A_0 = arith.muli %arg1, %mul3A : i32
    %add3A = arith.addi %mul3A_0, %arg0 : i32
    %mul3A_1 = arith.constant 200 : i32
    %mul3A_2 = arith.muli %add3A, %mul3A_1 : i32
    %mul3A_3 = arith.constant 25600 : i32
    %mul3A_4 = arith.muli %add3A, %mul3A_3 : i32
    "tpu.region"() ({
      %run_scoped3A = tpu.sem_alloc : memref<!tpu.dma_semaphore, #tpu.memory_space<semaphore_mem>>
      %dma_start3A_144 = arith.constant 0 : i32
      %dma_start3A_145 = tpu.memref_slice %arg3[%mul3A_2, %dma_start3A_144] : memref<6400x128xi32, #tpu.memory_space<hbm>> -> memref<200x128xi32, #tpu.memory_space<hbm>>
      %dma_start3A_146 = arith.constant 0 : i32
      %dma_start3A_147 = tpu.memref_slice %arg3[%mul3A_2, %dma_start3A_146] : memref<6400x128xi32, #tpu.memory_space<hbm>> -> memref<200x128xi32, #tpu.memory_space<hbm>>
      tpu.enqueue_dma source(%dma_start3A_147 : memref<200x128xi32, #tpu.memory_space<hbm>>) target(%arg5 : memref<200x128xi32, #tpu.memory_space<vmem>>) target_semaphore(%run_scoped3A : memref<!tpu.dma_semaphore, #tpu.memory_space<semaphore_mem>>)
      %dma_wait3A_148 = arith.constant 0 : i32
      %dma_wait3A_149 = tpu.memref_slice %arg3[%mul3A_2, %dma_wait3A_148] : memref<6400x128xi32, #tpu.memory_space<hbm>> -> memref<200x128xi32, #tpu.memory_space<hbm>>
      %dma_wait3A_150 = arith.constant 0 : i32
      %dma_wait3A_151 = tpu.memref_slice %arg3[%mul3A_2, %dma_wait3A_150] : memref<6400x128xi32, #tpu.memory_space<hbm>> -> memref<200x128xi32, #tpu.memory_space<hbm>>
      tpu.wait_dma2 semaphore(%run_scoped3A : memref<!tpu.dma_semaphore, #tpu.memory_space<semaphore_mem>>) src(%dma_wait3A_151 : memref<200x128xi32, #tpu.memory_space<hbm>>) dst(%arg5 : memref<200x128xi32, #tpu.memory_space<vmem>>)
      tpu.yield
    }) : () -> ()
    %dma_start3A = arith.constant 0 : i32
    %dma_start3A_5 = arith.constant 0 : i32
    %dma_start3A_6 = arith.constant 0 : i32
    %dma_start3A_7 = tpu.memref_slice %arg6[%dma_start3A_5, %dma_start3A_6] : memref<640x64xf32, #tpu.memory_space<vmem>> -> memref<128x64xf32, #tpu.memory_space<vmem>>
    %dma_start3A_8 = arith.constant 0 : i32
    %dma_start3A_9 = tpu.memref_slice %arg5[%dma_start3A, %dma_start3A_8] : memref<200x128xi32, #tpu.memory_space<vmem>> -> memref<1x128xi32, #tpu.memory_space<vmem>>
    %dma_start3A_10 = tpu.memref_squeeze %dma_start3A_9 : memref<1x128xi32, #tpu.memory_space<vmem>> -> memref<128xi32, #tpu.memory_space<vmem>>
    %dma_start3A_11 = arith.constant 0 : i32
    %dma_start3A_12 = arith.constant 0 : i32
    %dma_start3A_13 = tpu.memref_slice %arg2[%dma_start3A_11, %dma_start3A_12] : memref<100000x64xf32, #tpu.memory_space<hbm>> -> memref<100000x64xf32, #tpu.memory_space<hbm>>
    tpu.enqueue_indirect_dma source(%dma_start3A_13 : memref<100000x64xf32, #tpu.memory_space<hbm>>) target(%dma_start3A_7 : memref<128x64xf32, #tpu.memory_space<vmem>>) offsets(%dma_start3A_10 : memref<128xi32, #tpu.memory_space<vmem>>) semaphore(%arg8 : memref<!tpu.dma_semaphore, #tpu.memory_space<semaphore_mem>>)
    %dma_start3A_14 = arith.constant 1 : i32
    %dma_start3A_15 = arith.constant 128 : i32
    %dma_start3A_16 = arith.constant 0 : i32
    %dma_start3A_17 = tpu.memref_slice %arg6[%dma_start3A_15, %dma_start3A_16] : memref<640x64xf32, #tpu.memory_space<vmem>> -> memref<128x64xf32, #tpu.memory_space<vmem>>
    %dma_start3A_18 = arith.constant 0 : i32
    %dma_start3A_19 = tpu.memref_slice %arg5[%dma_start3A_14, %dma_start3A_18] : memref<200x128xi32, #tpu.memory_space<vmem>> -> memref<1x128xi32, #tpu.memory_space<vmem>>
    %dma_start3A_20 = tpu.memref_squeeze %dma_start3A_19 : memref<1x128xi32, #tpu.memory_space<vmem>> -> memref<128xi32, #tpu.memory_space<vmem>>
    %dma_start3A_21 = arith.constant 0 : i32
    %dma_start3A_22 = arith.constant 0 : i32
    %dma_start3A_23 = tpu.memref_slice %arg2[%dma_start3A_21, %dma_start3A_22] : memref<100000x64xf32, #tpu.memory_space<hbm>> -> memref<100000x64xf32, #tpu.memory_space<hbm>>
    tpu.enqueue_indirect_dma source(%dma_start3A_23 : memref<100000x64xf32, #tpu.memory_space<hbm>>) target(%dma_start3A_17 : memref<128x64xf32, #tpu.memory_space<vmem>>) offsets(%dma_start3A_20 : memref<128xi32, #tpu.memory_space<vmem>>) semaphore(%arg8 : memref<!tpu.dma_semaphore, #tpu.memory_space<semaphore_mem>>)
    %dma_start3A_24 = arith.constant 2 : i32
    %dma_start3A_25 = arith.constant 256 : i32
    %dma_start3A_26 = arith.constant 0 : i32
    %dma_start3A_27 = tpu.memref_slice %arg6[%dma_start3A_25, %dma_start3A_26] : memref<640x64xf32, #tpu.memory_space<vmem>> -> memref<128x64xf32, #tpu.memory_space<vmem>>
    %dma_start3A_28 = arith.constant 0 : i32
    %dma_start3A_29 = tpu.memref_slice %arg5[%dma_start3A_24, %dma_start3A_28] : memref<200x128xi32, #tpu.memory_space<vmem>> -> memref<1x128xi32, #tpu.memory_space<vmem>>
    %dma_start3A_30 = tpu.memref_squeeze %dma_start3A_29 : memref<1x128xi32, #tpu.memory_space<vmem>> -> memref<128xi32, #tpu.memory_space<vmem>>
    %dma_start3A_31 = arith.constant 0 : i32
    %dma_start3A_32 = arith.constant 0 : i32
    %dma_start3A_33 = tpu.memref_slice %arg2[%dma_start3A_31, %dma_start3A_32] : memref<100000x64xf32, #tpu.memory_space<hbm>> -> memref<100000x64xf32, #tpu.memory_space<hbm>>
    tpu.enqueue_indirect_dma source(%dma_start3A_33 : memref<100000x64xf32, #tpu.memory_space<hbm>>) target(%dma_start3A_27 : memref<128x64xf32, #tpu.memory_space<vmem>>) offsets(%dma_start3A_30 : memref<128xi32, #tpu.memory_space<vmem>>) semaphore(%arg8 : memref<!tpu.dma_semaphore, #tpu.memory_space<semaphore_mem>>)
    %dma_start3A_34 = arith.constant 3 : i32
    %dma_start3A_35 = arith.constant 384 : i32
    %dma_start3A_36 = arith.constant 0 : i32
    %dma_start3A_37 = tpu.memref_slice %arg6[%dma_start3A_35, %dma_start3A_36] : memref<640x64xf32, #tpu.memory_space<vmem>> -> memref<128x64xf32, #tpu.memory_space<vmem>>
    %dma_start3A_38 = arith.constant 0 : i32
    %dma_start3A_39 = tpu.memref_slice %arg5[%dma_start3A_34, %dma_start3A_38] : memref<200x128xi32, #tpu.memory_space<vmem>> -> memref<1x128xi32, #tpu.memory_space<vmem>>
    %dma_start3A_40 = tpu.memref_squeeze %dma_start3A_39 : memref<1x128xi32, #tpu.memory_space<vmem>> -> memref<128xi32, #tpu.memory_space<vmem>>
    %dma_start3A_41 = arith.constant 0 : i32
    %dma_start3A_42 = arith.constant 0 : i32
    %dma_start3A_43 = tpu.memref_slice %arg2[%dma_start3A_41, %dma_start3A_42] : memref<100000x64xf32, #tpu.memory_space<hbm>> -> memref<100000x64xf32, #tpu.memory_space<hbm>>
    tpu.enqueue_indirect_dma source(%dma_start3A_43 : memref<100000x64xf32, #tpu.memory_space<hbm>>) target(%dma_start3A_37 : memref<128x64xf32, #tpu.memory_space<vmem>>) offsets(%dma_start3A_40 : memref<128xi32, #tpu.memory_space<vmem>>) semaphore(%arg8 : memref<!tpu.dma_semaphore, #tpu.memory_space<semaphore_mem>>)
    %dma_start3A_44 = arith.constant 4 : i32
    %dma_start3A_45 = arith.constant 512 : i32
    %dma_start3A_46 = arith.constant 0 : i32
    %dma_start3A_47 = tpu.memref_slice %arg6[%dma_start3A_45, %dma_start3A_46] : memref<640x64xf32, #tpu.memory_space<vmem>> -> memref<128x64xf32, #tpu.memory_space<vmem>>
    %dma_start3A_48 = arith.constant 0 : i32
    %dma_start3A_49 = tpu.memref_slice %arg5[%dma_start3A_44, %dma_start3A_48] : memref<200x128xi32, #tpu.memory_space<vmem>> -> memref<1x128xi32, #tpu.memory_space<vmem>>
    %dma_start3A_50 = tpu.memref_squeeze %dma_start3A_49 : memref<1x128xi32, #tpu.memory_space<vmem>> -> memref<128xi32, #tpu.memory_space<vmem>>
    %dma_start3A_51 = arith.constant 0 : i32
    %dma_start3A_52 = arith.constant 0 : i32
    %dma_start3A_53 = tpu.memref_slice %arg2[%dma_start3A_51, %dma_start3A_52] : memref<100000x64xf32, #tpu.memory_space<hbm>> -> memref<100000x64xf32, #tpu.memory_space<hbm>>
    tpu.enqueue_indirect_dma source(%dma_start3A_53 : memref<100000x64xf32, #tpu.memory_space<hbm>>) target(%dma_start3A_47 : memref<128x64xf32, #tpu.memory_space<vmem>>) offsets(%dma_start3A_50 : memref<128xi32, #tpu.memory_space<vmem>>) semaphore(%arg8 : memref<!tpu.dma_semaphore, #tpu.memory_space<semaphore_mem>>)
    %dma_start3A_54 = arith.constant 5 : i32
    %dma_start3A_55 = arith.constant 0 : i32
    %dma_start3A_56 = arith.constant 0 : i32
    %dma_start3A_57 = tpu.memref_slice %arg7[%dma_start3A_55, %dma_start3A_56] : memref<640x64xf32, #tpu.memory_space<vmem>> -> memref<128x64xf32, #tpu.memory_space<vmem>>
    %dma_start3A_58 = arith.constant 0 : i32
    %dma_start3A_59 = tpu.memref_slice %arg5[%dma_start3A_54, %dma_start3A_58] : memref<200x128xi32, #tpu.memory_space<vmem>> -> memref<1x128xi32, #tpu.memory_space<vmem>>
    %dma_start3A_60 = tpu.memref_squeeze %dma_start3A_59 : memref<1x128xi32, #tpu.memory_space<vmem>> -> memref<128xi32, #tpu.memory_space<vmem>>
    %dma_start3A_61 = arith.constant 0 : i32
    %dma_start3A_62 = arith.constant 0 : i32
    %dma_start3A_63 = tpu.memref_slice %arg2[%dma_start3A_61, %dma_start3A_62] : memref<100000x64xf32, #tpu.memory_space<hbm>> -> memref<100000x64xf32, #tpu.memory_space<hbm>>
    tpu.enqueue_indirect_dma source(%dma_start3A_63 : memref<100000x64xf32, #tpu.memory_space<hbm>>) target(%dma_start3A_57 : memref<128x64xf32, #tpu.memory_space<vmem>>) offsets(%dma_start3A_60 : memref<128xi32, #tpu.memory_space<vmem>>) semaphore(%arg9 : memref<!tpu.dma_semaphore, #tpu.memory_space<semaphore_mem>>)
    %dma_start3A_64 = arith.constant 6 : i32
    %dma_start3A_65 = arith.constant 128 : i32
    %dma_start3A_66 = arith.constant 0 : i32
    %dma_start3A_67 = tpu.memref_slice %arg7[%dma_start3A_65, %dma_start3A_66] : memref<640x64xf32, #tpu.memory_space<vmem>> -> memref<128x64xf32, #tpu.memory_space<vmem>>
    %dma_start3A_68 = arith.constant 0 : i32
    %dma_start3A_69 = tpu.memref_slice %arg5[%dma_start3A_64, %dma_start3A_68] : memref<200x128xi32, #tpu.memory_space<vmem>> -> memref<1x128xi32, #tpu.memory_space<vmem>>
    %dma_start3A_70 = tpu.memref_squeeze %dma_start3A_69 : memref<1x128xi32, #tpu.memory_space<vmem>> -> memref<128xi32, #tpu.memory_space<vmem>>
    %dma_start3A_71 = arith.constant 0 : i32
    %dma_start3A_72 = arith.constant 0 : i32
    %dma_start3A_73 = tpu.memref_slice %arg2[%dma_start3A_71, %dma_start3A_72] : memref<100000x64xf32, #tpu.memory_space<hbm>> -> memref<100000x64xf32, #tpu.memory_space<hbm>>
    tpu.enqueue_indirect_dma source(%dma_start3A_73 : memref<100000x64xf32, #tpu.memory_space<hbm>>) target(%dma_start3A_67 : memref<128x64xf32, #tpu.memory_space<vmem>>) offsets(%dma_start3A_70 : memref<128xi32, #tpu.memory_space<vmem>>) semaphore(%arg9 : memref<!tpu.dma_semaphore, #tpu.memory_space<semaphore_mem>>)
    %dma_start3A_74 = arith.constant 7 : i32
    %dma_start3A_75 = arith.constant 256 : i32
    %dma_start3A_76 = arith.constant 0 : i32
    %dma_start3A_77 = tpu.memref_slice %arg7[%dma_start3A_75, %dma_start3A_76] : memref<640x64xf32, #tpu.memory_space<vmem>> -> memref<128x64xf32, #tpu.memory_space<vmem>>
    %dma_start3A_78 = arith.constant 0 : i32
    %dma_start3A_79 = tpu.memref_slice %arg5[%dma_start3A_74, %dma_start3A_78] : memref<200x128xi32, #tpu.memory_space<vmem>> -> memref<1x128xi32, #tpu.memory_space<vmem>>
    %dma_start3A_80 = tpu.memref_squeeze %dma_start3A_79 : memref<1x128xi32, #tpu.memory_space<vmem>> -> memref<128xi32, #tpu.memory_space<vmem>>
    %dma_start3A_81 = arith.constant 0 : i32
    %dma_start3A_82 = arith.constant 0 : i32
    %dma_start3A_83 = tpu.memref_slice %arg2[%dma_start3A_81, %dma_start3A_82] : memref<100000x64xf32, #tpu.memory_space<hbm>> -> memref<100000x64xf32, #tpu.memory_space<hbm>>
    tpu.enqueue_indirect_dma source(%dma_start3A_83 : memref<100000x64xf32, #tpu.memory_space<hbm>>) target(%dma_start3A_77 : memref<128x64xf32, #tpu.memory_space<vmem>>) offsets(%dma_start3A_80 : memref<128xi32, #tpu.memory_space<vmem>>) semaphore(%arg9 : memref<!tpu.dma_semaphore, #tpu.memory_space<semaphore_mem>>)
    %dma_start3A_84 = arith.constant 8 : i32
    %dma_start3A_85 = arith.constant 384 : i32
    %dma_start3A_86 = arith.constant 0 : i32
    %dma_start3A_87 = tpu.memref_slice %arg7[%dma_start3A_85, %dma_start3A_86] : memref<640x64xf32, #tpu.memory_space<vmem>> -> memref<128x64xf32, #tpu.memory_space<vmem>>
    %dma_start3A_88 = arith.constant 0 : i32
    %dma_start3A_89 = tpu.memref_slice %arg5[%dma_start3A_84, %dma_start3A_88] : memref<200x128xi32, #tpu.memory_space<vmem>> -> memref<1x128xi32, #tpu.memory_space<vmem>>
    %dma_start3A_90 = tpu.memref_squeeze %dma_start3A_89 : memref<1x128xi32, #tpu.memory_space<vmem>> -> memref<128xi32, #tpu.memory_space<vmem>>
    %dma_start3A_91 = arith.constant 0 : i32
    %dma_start3A_92 = arith.constant 0 : i32
    %dma_start3A_93 = tpu.memref_slice %arg2[%dma_start3A_91, %dma_start3A_92] : memref<100000x64xf32, #tpu.memory_space<hbm>> -> memref<100000x64xf32, #tpu.memory_space<hbm>>
    tpu.enqueue_indirect_dma source(%dma_start3A_93 : memref<100000x64xf32, #tpu.memory_space<hbm>>) target(%dma_start3A_87 : memref<128x64xf32, #tpu.memory_space<vmem>>) offsets(%dma_start3A_90 : memref<128xi32, #tpu.memory_space<vmem>>) semaphore(%arg9 : memref<!tpu.dma_semaphore, #tpu.memory_space<semaphore_mem>>)
    %dma_start3A_94 = arith.constant 9 : i32
    %dma_start3A_95 = arith.constant 512 : i32
    %dma_start3A_96 = arith.constant 0 : i32
    %dma_start3A_97 = tpu.memref_slice %arg7[%dma_start3A_95, %dma_start3A_96] : memref<640x64xf32, #tpu.memory_space<vmem>> -> memref<128x64xf32, #tpu.memory_space<vmem>>
    %dma_start3A_98 = arith.constant 0 : i32
    %dma_start3A_99 = tpu.memref_slice %arg5[%dma_start3A_94, %dma_start3A_98] : memref<200x128xi32, #tpu.memory_space<vmem>> -> memref<1x128xi32, #tpu.memory_space<vmem>>
    %dma_start3A_100 = tpu.memref_squeeze %dma_start3A_99 : memref<1x128xi32, #tpu.memory_space<vmem>> -> memref<128xi32, #tpu.memory_space<vmem>>
    %dma_start3A_101 = arith.constant 0 : i32
    %dma_start3A_102 = arith.constant 0 : i32
    %dma_start3A_103 = tpu.memref_slice %arg2[%dma_start3A_101, %dma_start3A_102] : memref<100000x64xf32, #tpu.memory_space<hbm>> -> memref<100000x64xf32, #tpu.memory_space<hbm>>
    tpu.enqueue_indirect_dma source(%dma_start3A_103 : memref<100000x64xf32, #tpu.memory_space<hbm>>) target(%dma_start3A_97 : memref<128x64xf32, #tpu.memory_space<vmem>>) offsets(%dma_start3A_100 : memref<128xi32, #tpu.memory_space<vmem>>) semaphore(%arg9 : memref<!tpu.dma_semaphore, #tpu.memory_space<semaphore_mem>>)
    %dma_wait3A = arith.constant 0 : i32
    %dma_wait3A_104 = arith.constant 0 : i32
    %dma_wait3A_105 = tpu.memref_slice %arg4[%dma_wait3A, %dma_wait3A_104] : memref<819200x64xf32, #tpu.memory_space<hbm>> -> memref<640x64xf32, #tpu.memory_space<hbm>>
    %dma_wait3A_106 = arith.constant 0 : i32
    %dma_wait3A_107 = arith.constant 0 : i32
    %dma_wait3A_108 = tpu.memref_slice %arg4[%dma_wait3A_106, %dma_wait3A_107] : memref<819200x64xf32, #tpu.memory_space<hbm>> -> memref<640x64xf32, #tpu.memory_space<hbm>>
    tpu.wait_dma2 semaphore(%arg8 : memref<!tpu.dma_semaphore, #tpu.memory_space<semaphore_mem>>) src(%dma_wait3A_108 : memref<640x64xf32, #tpu.memory_space<hbm>>) dst(%arg6 : memref<640x64xf32, #tpu.memory_space<vmem>>)
    %add3A_109 = arith.constant 0 : i32
    %add3A_110 = arith.addi %mul3A_4, %add3A_109 : i32
    %dma_start3A_111 = arith.constant 0 : i32
    %dma_start3A_112 = tpu.memref_slice %arg4[%add3A_110, %dma_start3A_111] : memref<819200x64xf32, #tpu.memory_space<hbm>> -> memref<640x64xf32, #tpu.memory_space<hbm>>
    %dma_start3A_113 = arith.constant 0 : i32
    %dma_start3A_114 = tpu.memref_slice %arg4[%add3A_110, %dma_start3A_113] : memref<819200x64xf32, #tpu.memory_space<hbm>> -> memref<640x64xf32, #tpu.memory_space<hbm>>
    tpu.enqueue_dma source(%arg6 : memref<640x64xf32, #tpu.memory_space<vmem>>) target(%dma_start3A_114 : memref<640x64xf32, #tpu.memory_space<hbm>>) target_semaphore(%arg10 : memref<!tpu.dma_semaphore, #tpu.memory_space<semaphore_mem>>)
    %scan3A = arith.constant 0 : i32
    %scan3A_115 = arith.constant 0 : i32
    %scan3A_116 = arith.constant 19 : i32
    %scan3A_117 = arith.addi %scan3A_115, %scan3A_116 : i32
    %scan3A_118 = arith.constant 1 : i32
    scf.for %scan3A_144 = %scan3A_115 to %scan3A_117 step %scan3A_118  : i32 {
      %mul3A_145 = arith.constant 2 : i32
      %mul3A_146 = arith.muli %mul3A_145, %scan3A_144 : i32
      %add3A_147 = arith.constant 2 : i32
      %add3A_148 = arith.addi %add3A_147, %mul3A_146 : i32
      %dma_wait3A_149 = arith.constant 0 : i32
      %dma_wait3A_150 = arith.constant 0 : i32
      %dma_wait3A_151 = tpu.memref_slice %arg4[%dma_wait3A_149, %dma_wait3A_150] : memref<819200x64xf32, #tpu.memory_space<hbm>> -> memref<640x64xf32, #tpu.memory_space<hbm>>
      %dma_wait3A_152 = arith.constant 0 : i32
      %dma_wait3A_153 = arith.constant 0 : i32
      %dma_wait3A_154 = tpu.memref_slice %arg4[%dma_wait3A_152, %dma_wait3A_153] : memref<819200x64xf32, #tpu.memory_space<hbm>> -> memref<640x64xf32, #tpu.memory_space<hbm>>
      tpu.wait_dma2 semaphore(%arg10 : memref<!tpu.dma_semaphore, #tpu.memory_space<semaphore_mem>>) src(%arg6 : memref<640x64xf32, #tpu.memory_space<vmem>>) dst(%dma_wait3A_154 : memref<640x64xf32, #tpu.memory_space<hbm>>)
      %mul3A_155 = arith.constant 5 : i32
      %mul3A_156 = arith.muli %add3A_148, %mul3A_155 : i32
      %add3A_157 = arith.constant 0 : i32
      %add3A_158 = arith.addi %mul3A_156, %add3A_157 : i32
      %dma_start3A_159 = arith.constant 0 : i32
      %dma_start3A_160 = arith.constant 0 : i32
      %dma_start3A_161 = tpu.memref_slice %arg6[%dma_start3A_159, %dma_start3A_160] : memref<640x64xf32, #tpu.memory_space<vmem>> -> memref<128x64xf32, #tpu.memory_space<vmem>>
      %dma_start3A_162 = arith.constant 0 : i32
      %dma_start3A_163 = tpu.memref_slice %arg5[%add3A_158, %dma_start3A_162] : memref<200x128xi32, #tpu.memory_space<vmem>> -> memref<1x128xi32, #tpu.memory_space<vmem>>
      %dma_start3A_164 = tpu.memref_squeeze %dma_start3A_163 : memref<1x128xi32, #tpu.memory_space<vmem>> -> memref<128xi32, #tpu.memory_space<vmem>>
      %dma_start3A_165 = arith.constant 0 : i32
      %dma_start3A_166 = arith.constant 0 : i32
      %dma_start3A_167 = tpu.memref_slice %arg2[%dma_start3A_165, %dma_start3A_166] : memref<100000x64xf32, #tpu.memory_space<hbm>> -> memref<100000x64xf32, #tpu.memory_space<hbm>>
      tpu.enqueue_indirect_dma source(%dma_start3A_167 : memref<100000x64xf32, #tpu.memory_space<hbm>>) target(%dma_start3A_161 : memref<128x64xf32, #tpu.memory_space<vmem>>) offsets(%dma_start3A_164 : memref<128xi32, #tpu.memory_space<vmem>>) semaphore(%arg8 : memref<!tpu.dma_semaphore, #tpu.memory_space<semaphore_mem>>)
      %mul3A_168 = arith.constant 5 : i32
      %mul3A_169 = arith.muli %add3A_148, %mul3A_168 : i32
      %add3A_170 = arith.constant 1 : i32
      %add3A_171 = arith.addi %mul3A_169, %add3A_170 : i32
      %dma_start3A_172 = arith.constant 128 : i32
      %dma_start3A_173 = arith.constant 0 : i32
      %dma_start3A_174 = tpu.memref_slice %arg6[%dma_start3A_172, %dma_start3A_173] : memref<640x64xf32, #tpu.memory_space<vmem>> -> memref<128x64xf32, #tpu.memory_space<vmem>>
      %dma_start3A_175 = arith.constant 0 : i32
      %dma_start3A_176 = tpu.memref_slice %arg5[%add3A_171, %dma_start3A_175] : memref<200x128xi32, #tpu.memory_space<vmem>> -> memref<1x128xi32, #tpu.memory_space<vmem>>
      %dma_start3A_177 = tpu.memref_squeeze %dma_start3A_176 : memref<1x128xi32, #tpu.memory_space<vmem>> -> memref<128xi32, #tpu.memory_space<vmem>>
      %dma_start3A_178 = arith.constant 0 : i32
      %dma_start3A_179 = arith.constant 0 : i32
      %dma_start3A_180 = tpu.memref_slice %arg2[%dma_start3A_178, %dma_start3A_179] : memref<100000x64xf32, #tpu.memory_space<hbm>> -> memref<100000x64xf32, #tpu.memory_space<hbm>>
      tpu.enqueue_indirect_dma source(%dma_start3A_180 : memref<100000x64xf32, #tpu.memory_space<hbm>>) target(%dma_start3A_174 : memref<128x64xf32, #tpu.memory_space<vmem>>) offsets(%dma_start3A_177 : memref<128xi32, #tpu.memory_space<vmem>>) semaphore(%arg8 : memref<!tpu.dma_semaphore, #tpu.memory_space<semaphore_mem>>)
      %mul3A_181 = arith.constant 5 : i32
      %mul3A_182 = arith.muli %add3A_148, %mul3A_181 : i32
      %add3A_183 = arith.constant 2 : i32
      %add3A_184 = arith.addi %mul3A_182, %add3A_183 : i32
      %dma_start3A_185 = arith.constant 256 : i32
      %dma_start3A_186 = arith.constant 0 : i32
      %dma_start3A_187 = tpu.memref_slice %arg6[%dma_start3A_185, %dma_start3A_186] : memref<640x64xf32, #tpu.memory_space<vmem>> -> memref<128x64xf32, #tpu.memory_space<vmem>>
      %dma_start3A_188 = arith.constant 0 : i32
      %dma_start3A_189 = tpu.memref_slice %arg5[%add3A_184, %dma_start3A_188] : memref<200x128xi32, #tpu.memory_space<vmem>> -> memref<1x128xi32, #tpu.memory_space<vmem>>
      %dma_start3A_190 = tpu.memref_squeeze %dma_start3A_189 : memref<1x128xi32, #tpu.memory_space<vmem>> -> memref<128xi32, #tpu.memory_space<vmem>>
      %dma_start3A_191 = arith.constant 0 : i32
      %dma_start3A_192 = arith.constant 0 : i32
      %dma_start3A_193 = tpu.memref_slice %arg2[%dma_start3A_191, %dma_start3A_192] : memref<100000x64xf32, #tpu.memory_space<hbm>> -> memref<100000x64xf32, #tpu.memory_space<hbm>>
      tpu.enqueue_indirect_dma source(%dma_start3A_193 : memref<100000x64xf32, #tpu.memory_space<hbm>>) target(%dma_start3A_187 : memref<128x64xf32, #tpu.memory_space<vmem>>) offsets(%dma_start3A_190 : memref<128xi32, #tpu.memory_space<vmem>>) semaphore(%arg8 : memref<!tpu.dma_semaphore, #tpu.memory_space<semaphore_mem>>)
      %mul3A_194 = arith.constant 5 : i32
      %mul3A_195 = arith.muli %add3A_148, %mul3A_194 : i32
      %add3A_196 = arith.constant 3 : i32
      %add3A_197 = arith.addi %mul3A_195, %add3A_196 : i32
      %dma_start3A_198 = arith.constant 384 : i32
      %dma_start3A_199 = arith.constant 0 : i32
      %dma_start3A_200 = tpu.memref_slice %arg6[%dma_start3A_198, %dma_start3A_199] : memref<640x64xf32, #tpu.memory_space<vmem>> -> memref<128x64xf32, #tpu.memory_space<vmem>>
      %dma_start3A_201 = arith.constant 0 : i32
      %dma_start3A_202 = tpu.memref_slice %arg5[%add3A_197, %dma_start3A_201] : memref<200x128xi32, #tpu.memory_space<vmem>> -> memref<1x128xi32, #tpu.memory_space<vmem>>
      %dma_start3A_203 = tpu.memref_squeeze %dma_start3A_202 : memref<1x128xi32, #tpu.memory_space<vmem>> -> memref<128xi32, #tpu.memory_space<vmem>>
      %dma_start3A_204 = arith.constant 0 : i32
      %dma_start3A_205 = arith.constant 0 : i32
      %dma_start3A_206 = tpu.memref_slice %arg2[%dma_start3A_204, %dma_start3A_205] : memref<100000x64xf32, #tpu.memory_space<hbm>> -> memref<100000x64xf32, #tpu.memory_space<hbm>>
      tpu.enqueue_indirect_dma source(%dma_start3A_206 : memref<100000x64xf32, #tpu.memory_space<hbm>>) target(%dma_start3A_200 : memref<128x64xf32, #tpu.memory_space<vmem>>) offsets(%dma_start3A_203 : memref<128xi32, #tpu.memory_space<vmem>>) semaphore(%arg8 : memref<!tpu.dma_semaphore, #tpu.memory_space<semaphore_mem>>)
      %mul3A_207 = arith.constant 5 : i32
      %mul3A_208 = arith.muli %add3A_148, %mul3A_207 : i32
      %add3A_209 = arith.constant 4 : i32
      %add3A_210 = arith.addi %mul3A_208, %add3A_209 : i32
      %dma_start3A_211 = arith.constant 512 : i32
      %dma_start3A_212 = arith.constant 0 : i32
      %dma_start3A_213 = tpu.memref_slice %arg6[%dma_start3A_211, %dma_start3A_212] : memref<640x64xf32, #tpu.memory_space<vmem>> -> memref<128x64xf32, #tpu.memory_space<vmem>>
      %dma_start3A_214 = arith.constant 0 : i32
      %dma_start3A_215 = tpu.memref_slice %arg5[%add3A_210, %dma_start3A_214] : memref<200x128xi32, #tpu.memory_space<vmem>> -> memref<1x128xi32, #tpu.memory_space<vmem>>
      %dma_start3A_216 = tpu.memref_squeeze %dma_start3A_215 : memref<1x128xi32, #tpu.memory_space<vmem>> -> memref<128xi32, #tpu.memory_space<vmem>>
      %dma_start3A_217 = arith.constant 0 : i32
      %dma_start3A_218 = arith.constant 0 : i32
      %dma_start3A_219 = tpu.memref_slice %arg2[%dma_start3A_217, %dma_start3A_218] : memref<100000x64xf32, #tpu.memory_space<hbm>> -> memref<100000x64xf32, #tpu.memory_space<hbm>>
      tpu.enqueue_indirect_dma source(%dma_start3A_219 : memref<100000x64xf32, #tpu.memory_space<hbm>>) target(%dma_start3A_213 : memref<128x64xf32, #tpu.memory_space<vmem>>) offsets(%dma_start3A_216 : memref<128xi32, #tpu.memory_space<vmem>>) semaphore(%arg8 : memref<!tpu.dma_semaphore, #tpu.memory_space<semaphore_mem>>)
      %dma_wait3A_220 = arith.constant 0 : i32
      %dma_wait3A_221 = arith.constant 0 : i32
      %dma_wait3A_222 = tpu.memref_slice %arg4[%dma_wait3A_220, %dma_wait3A_221] : memref<819200x64xf32, #tpu.memory_space<hbm>> -> memref<640x64xf32, #tpu.memory_space<hbm>>
      %dma_wait3A_223 = arith.constant 0 : i32
      %dma_wait3A_224 = arith.constant 0 : i32
      %dma_wait3A_225 = tpu.memref_slice %arg4[%dma_wait3A_223, %dma_wait3A_224] : memref<819200x64xf32, #tpu.memory_space<hbm>> -> memref<640x64xf32, #tpu.memory_space<hbm>>
      tpu.wait_dma2 semaphore(%arg9 : memref<!tpu.dma_semaphore, #tpu.memory_space<semaphore_mem>>) src(%dma_wait3A_225 : memref<640x64xf32, #tpu.memory_space<hbm>>) dst(%arg7 : memref<640x64xf32, #tpu.memory_space<vmem>>)
      %sub3A = arith.constant 1 : i32
      %sub3A_226 = arith.subi %add3A_148, %sub3A : i32
      %mul3A_227 = arith.constant 640 : i32
      %mul3A_228 = arith.muli %sub3A_226, %mul3A_227 : i32
      %add3A_229 = arith.addi %mul3A_4, %mul3A_228 : i32
      %dma_start3A_230 = arith.constant 0 : i32
      %dma_start3A_231 = tpu.memref_slice %arg4[%add3A_229, %dma_start3A_230] : memref<819200x64xf32, #tpu.memory_space<hbm>> -> memref<640x64xf32, #tpu.memory_space<hbm>>
      %dma_start3A_232 = arith.constant 0 : i32
      %dma_start3A_233 = tpu.memref_slice %arg4[%add3A_229, %dma_start3A_232] : memref<819200x64xf32, #tpu.memory_space<hbm>> -> memref<640x64xf32, #tpu.memory_space<hbm>>
      tpu.enqueue_dma source(%arg7 : memref<640x64xf32, #tpu.memory_space<vmem>>) target(%dma_start3A_233 : memref<640x64xf32, #tpu.memory_space<hbm>>) target_semaphore(%arg11 : memref<!tpu.dma_semaphore, #tpu.memory_space<semaphore_mem>>)
      %dma_wait3A_234 = arith.constant 0 : i32
      %dma_wait3A_235 = arith.constant 0 : i32
      %dma_wait3A_236 = tpu.memref_slice %arg4[%dma_wait3A_234, %dma_wait3A_235] : memref<819200x64xf32, #tpu.memory_space<hbm>> -> memref<640x64xf32, #tpu.memory_space<hbm>>
      %dma_wait3A_237 = arith.constant 0 : i32
      %dma_wait3A_238 = arith.constant 0 : i32
      %dma_wait3A_239 = tpu.memref_slice %arg4[%dma_wait3A_237, %dma_wait3A_238] : memref<819200x64xf32, #tpu.memory_space<hbm>> -> memref<640x64xf32, #tpu.memory_space<hbm>>
      tpu.wait_dma2 semaphore(%arg11 : memref<!tpu.dma_semaphore, #tpu.memory_space<semaphore_mem>>) src(%arg7 : memref<640x64xf32, #tpu.memory_space<vmem>>) dst(%dma_wait3A_239 : memref<640x64xf32, #tpu.memory_space<hbm>>)
      %add3A_240 = arith.constant 1 : i32
      %add3A_241 = arith.addi %add3A_148, %add3A_240 : i32
      %mul3A_242 = arith.constant 5 : i32
      %mul3A_243 = arith.muli %add3A_241, %mul3A_242 : i32
      %add3A_244 = arith.constant 0 : i32
      %add3A_245 = arith.addi %mul3A_243, %add3A_244 : i32
      %dma_start3A_246 = arith.constant 0 : i32
      %dma_start3A_247 = arith.constant 0 : i32
      %dma_start3A_248 = tpu.memref_slice %arg7[%dma_start3A_246, %dma_start3A_247] : memref<640x64xf32, #tpu.memory_space<vmem>> -> memref<128x64xf32, #tpu.memory_space<vmem>>
      %dma_start3A_249 = arith.constant 0 : i32
      %dma_start3A_250 = tpu.memref_slice %arg5[%add3A_245, %dma_start3A_249] : memref<200x128xi32, #tpu.memory_space<vmem>> -> memref<1x128xi32, #tpu.memory_space<vmem>>
      %dma_start3A_251 = tpu.memref_squeeze %dma_start3A_250 : memref<1x128xi32, #tpu.memory_space<vmem>> -> memref<128xi32, #tpu.memory_space<vmem>>
      %dma_start3A_252 = arith.constant 0 : i32
      %dma_start3A_253 = arith.constant 0 : i32
      %dma_start3A_254 = tpu.memref_slice %arg2[%dma_start3A_252, %dma_start3A_253] : memref<100000x64xf32, #tpu.memory_space<hbm>> -> memref<100000x64xf32, #tpu.memory_space<hbm>>
      tpu.enqueue_indirect_dma source(%dma_start3A_254 : memref<100000x64xf32, #tpu.memory_space<hbm>>) target(%dma_start3A_248 : memref<128x64xf32, #tpu.memory_space<vmem>>) offsets(%dma_start3A_251 : memref<128xi32, #tpu.memory_space<vmem>>) semaphore(%arg9 : memref<!tpu.dma_semaphore, #tpu.memory_space<semaphore_mem>>)
      %mul3A_255 = arith.constant 5 : i32
      %mul3A_256 = arith.muli %add3A_241, %mul3A_255 : i32
      %add3A_257 = arith.constant 1 : i32
      %add3A_258 = arith.addi %mul3A_256, %add3A_257 : i32
      %dma_start3A_259 = arith.constant 128 : i32
      %dma_start3A_260 = arith.constant 0 : i32
      %dma_start3A_261 = tpu.memref_slice %arg7[%dma_start3A_259, %dma_start3A_260] : memref<640x64xf32, #tpu.memory_space<vmem>> -> memref<128x64xf32, #tpu.memory_space<vmem>>
      %dma_start3A_262 = arith.constant 0 : i32
      %dma_start3A_263 = tpu.memref_slice %arg5[%add3A_258, %dma_start3A_262] : memref<200x128xi32, #tpu.memory_space<vmem>> -> memref<1x128xi32, #tpu.memory_space<vmem>>
      %dma_start3A_264 = tpu.memref_squeeze %dma_start3A_263 : memref<1x128xi32, #tpu.memory_space<vmem>> -> memref<128xi32, #tpu.memory_space<vmem>>
      %dma_start3A_265 = arith.constant 0 : i32
      %dma_start3A_266 = arith.constant 0 : i32
      %dma_start3A_267 = tpu.memref_slice %arg2[%dma_start3A_265, %dma_start3A_266] : memref<100000x64xf32, #tpu.memory_space<hbm>> -> memref<100000x64xf32, #tpu.memory_space<hbm>>
      tpu.enqueue_indirect_dma source(%dma_start3A_267 : memref<100000x64xf32, #tpu.memory_space<hbm>>) target(%dma_start3A_261 : memref<128x64xf32, #tpu.memory_space<vmem>>) offsets(%dma_start3A_264 : memref<128xi32, #tpu.memory_space<vmem>>) semaphore(%arg9 : memref<!tpu.dma_semaphore, #tpu.memory_space<semaphore_mem>>)
      %mul3A_268 = arith.constant 5 : i32
      %mul3A_269 = arith.muli %add3A_241, %mul3A_268 : i32
      %add3A_270 = arith.constant 2 : i32
      %add3A_271 = arith.addi %mul3A_269, %add3A_270 : i32
      %dma_start3A_272 = arith.constant 256 : i32
      %dma_start3A_273 = arith.constant 0 : i32
      %dma_start3A_274 = tpu.memref_slice %arg7[%dma_start3A_272, %dma_start3A_273] : memref<640x64xf32, #tpu.memory_space<vmem>> -> memref<128x64xf32, #tpu.memory_space<vmem>>
      %dma_start3A_275 = arith.constant 0 : i32
      %dma_start3A_276 = tpu.memref_slice %arg5[%add3A_271, %dma_start3A_275] : memref<200x128xi32, #tpu.memory_space<vmem>> -> memref<1x128xi32, #tpu.memory_space<vmem>>
      %dma_start3A_277 = tpu.memref_squeeze %dma_start3A_276 : memref<1x128xi32, #tpu.memory_space<vmem>> -> memref<128xi32, #tpu.memory_space<vmem>>
      %dma_start3A_278 = arith.constant 0 : i32
      %dma_start3A_279 = arith.constant 0 : i32
      %dma_start3A_280 = tpu.memref_slice %arg2[%dma_start3A_278, %dma_start3A_279] : memref<100000x64xf32, #tpu.memory_space<hbm>> -> memref<100000x64xf32, #tpu.memory_space<hbm>>
      tpu.enqueue_indirect_dma source(%dma_start3A_280 : memref<100000x64xf32, #tpu.memory_space<hbm>>) target(%dma_start3A_274 : memref<128x64xf32, #tpu.memory_space<vmem>>) offsets(%dma_start3A_277 : memref<128xi32, #tpu.memory_space<vmem>>) semaphore(%arg9 : memref<!tpu.dma_semaphore, #tpu.memory_space<semaphore_mem>>)
      %mul3A_281 = arith.constant 5 : i32
      %mul3A_282 = arith.muli %add3A_241, %mul3A_281 : i32
      %add3A_283 = arith.constant 3 : i32
      %add3A_284 = arith.addi %mul3A_282, %add3A_283 : i32
      %dma_start3A_285 = arith.constant 384 : i32
      %dma_start3A_286 = arith.constant 0 : i32
      %dma_start3A_287 = tpu.memref_slice %arg7[%dma_start3A_285, %dma_start3A_286] : memref<640x64xf32, #tpu.memory_space<vmem>> -> memref<128x64xf32, #tpu.memory_space<vmem>>
      %dma_start3A_288 = arith.constant 0 : i32
      %dma_start3A_289 = tpu.memref_slice %arg5[%add3A_284, %dma_start3A_288] : memref<200x128xi32, #tpu.memory_space<vmem>> -> memref<1x128xi32, #tpu.memory_space<vmem>>
      %dma_start3A_290 = tpu.memref_squeeze %dma_start3A_289 : memref<1x128xi32, #tpu.memory_space<vmem>> -> memref<128xi32, #tpu.memory_space<vmem>>
      %dma_start3A_291 = arith.constant 0 : i32
      %dma_start3A_292 = arith.constant 0 : i32
      %dma_start3A_293 = tpu.memref_slice %arg2[%dma_start3A_291, %dma_start3A_292] : memref<100000x64xf32, #tpu.memory_space<hbm>> -> memref<100000x64xf32, #tpu.memory_space<hbm>>
      tpu.enqueue_indirect_dma source(%dma_start3A_293 : memref<100000x64xf32, #tpu.memory_space<hbm>>) target(%dma_start3A_287 : memref<128x64xf32, #tpu.memory_space<vmem>>) offsets(%dma_start3A_290 : memref<128xi32, #tpu.memory_space<vmem>>) semaphore(%arg9 : memref<!tpu.dma_semaphore, #tpu.memory_space<semaphore_mem>>)
      %mul3A_294 = arith.constant 5 : i32
      %mul3A_295 = arith.muli %add3A_241, %mul3A_294 : i32
      %add3A_296 = arith.constant 4 : i32
      %add3A_297 = arith.addi %mul3A_295, %add3A_296 : i32
      %dma_start3A_298 = arith.constant 512 : i32
      %dma_start3A_299 = arith.constant 0 : i32
      %dma_start3A_300 = tpu.memref_slice %arg7[%dma_start3A_298, %dma_start3A_299] : memref<640x64xf32, #tpu.memory_space<vmem>> -> memref<128x64xf32, #tpu.memory_space<vmem>>
      %dma_start3A_301 = arith.constant 0 : i32
      %dma_start3A_302 = tpu.memref_slice %arg5[%add3A_297, %dma_start3A_301] : memref<200x128xi32, #tpu.memory_space<vmem>> -> memref<1x128xi32, #tpu.memory_space<vmem>>
      %dma_start3A_303 = tpu.memref_squeeze %dma_start3A_302 : memref<1x128xi32, #tpu.memory_space<vmem>> -> memref<128xi32, #tpu.memory_space<vmem>>
      %dma_start3A_304 = arith.constant 0 : i32
      %dma_start3A_305 = arith.constant 0 : i32
      %dma_start3A_306 = tpu.memref_slice %arg2[%dma_start3A_304, %dma_start3A_305] : memref<100000x64xf32, #tpu.memory_space<hbm>> -> memref<100000x64xf32, #tpu.memory_space<hbm>>
      tpu.enqueue_indirect_dma source(%dma_start3A_306 : memref<100000x64xf32, #tpu.memory_space<hbm>>) target(%dma_start3A_300 : memref<128x64xf32, #tpu.memory_space<vmem>>) offsets(%dma_start3A_303 : memref<128xi32, #tpu.memory_space<vmem>>) semaphore(%arg9 : memref<!tpu.dma_semaphore, #tpu.memory_space<semaphore_mem>>)
      %dma_wait3A_307 = arith.constant 0 : i32
      %dma_wait3A_308 = arith.constant 0 : i32
      %dma_wait3A_309 = tpu.memref_slice %arg4[%dma_wait3A_307, %dma_wait3A_308] : memref<819200x64xf32, #tpu.memory_space<hbm>> -> memref<640x64xf32, #tpu.memory_space<hbm>>
      %dma_wait3A_310 = arith.constant 0 : i32
      %dma_wait3A_311 = arith.constant 0 : i32
      %dma_wait3A_312 = tpu.memref_slice %arg4[%dma_wait3A_310, %dma_wait3A_311] : memref<819200x64xf32, #tpu.memory_space<hbm>> -> memref<640x64xf32, #tpu.memory_space<hbm>>
      tpu.wait_dma2 semaphore(%arg8 : memref<!tpu.dma_semaphore, #tpu.memory_space<semaphore_mem>>) src(%dma_wait3A_312 : memref<640x64xf32, #tpu.memory_space<hbm>>) dst(%arg6 : memref<640x64xf32, #tpu.memory_space<vmem>>)
      %mul3A_313 = arith.constant 640 : i32
      %mul3A_314 = arith.muli %add3A_148, %mul3A_313 : i32
      %add3A_315 = arith.addi %mul3A_4, %mul3A_314 : i32
      %dma_start3A_316 = arith.constant 0 : i32
      %dma_start3A_317 = tpu.memref_slice %arg4[%add3A_315, %dma_start3A_316] : memref<819200x64xf32, #tpu.memory_space<hbm>> -> memref<640x64xf32, #tpu.memory_space<hbm>>
      %dma_start3A_318 = arith.constant 0 : i32
      %dma_start3A_319 = tpu.memref_slice %arg4[%add3A_315, %dma_start3A_318] : memref<819200x64xf32, #tpu.memory_space<hbm>> -> memref<640x64xf32, #tpu.memory_space<hbm>>
      tpu.enqueue_dma source(%arg6 : memref<640x64xf32, #tpu.memory_space<vmem>>) target(%dma_start3A_319 : memref<640x64xf32, #tpu.memory_space<hbm>>) target_semaphore(%arg10 : memref<!tpu.dma_semaphore, #tpu.memory_space<semaphore_mem>>)
    }
    %scan3A_119 = arith.constant 19 : i32
    %dma_wait3A_120 = arith.constant 0 : i32
    %dma_wait3A_121 = arith.constant 0 : i32
    %dma_wait3A_122 = tpu.memref_slice %arg4[%dma_wait3A_120, %dma_wait3A_121] : memref<819200x64xf32, #tpu.memory_space<hbm>> -> memref<640x64xf32, #tpu.memory_space<hbm>>
    %dma_wait3A_123 = arith.constant 0 : i32
    %dma_wait3A_124 = arith.constant 0 : i32
    %dma_wait3A_125 = tpu.memref_slice %arg4[%dma_wait3A_123, %dma_wait3A_124] : memref<819200x64xf32, #tpu.memory_space<hbm>> -> memref<640x64xf32, #tpu.memory_space<hbm>>
    tpu.wait_dma2 semaphore(%arg9 : memref<!tpu.dma_semaphore, #tpu.memory_space<semaphore_mem>>) src(%dma_wait3A_125 : memref<640x64xf32, #tpu.memory_space<hbm>>) dst(%arg7 : memref<640x64xf32, #tpu.memory_space<vmem>>)
    %add3A_126 = arith.constant 24960 : i32
    %add3A_127 = arith.addi %mul3A_4, %add3A_126 : i32
    %dma_start3A_128 = arith.constant 0 : i32
    %dma_start3A_129 = tpu.memref_slice %arg4[%add3A_127, %dma_start3A_128] : memref<819200x64xf32, #tpu.memory_space<hbm>> -> memref<640x64xf32, #tpu.memory_space<hbm>>
    %dma_start3A_130 = arith.constant 0 : i32
    %dma_start3A_131 = tpu.memref_slice %arg4[%add3A_127, %dma_start3A_130] : memref<819200x64xf32, #tpu.memory_space<hbm>> -> memref<640x64xf32, #tpu.memory_space<hbm>>
    tpu.enqueue_dma source(%arg7 : memref<640x64xf32, #tpu.memory_space<vmem>>) target(%dma_start3A_131 : memref<640x64xf32, #tpu.memory_space<hbm>>) target_semaphore(%arg11 : memref<!tpu.dma_semaphore, #tpu.memory_space<semaphore_mem>>)
    %dma_wait3A_132 = arith.constant 0 : i32
    %dma_wait3A_133 = arith.constant 0 : i32
    %dma_wait3A_134 = tpu.memref_slice %arg4[%dma_wait3A_132, %dma_wait3A_133] : memref<819200x64xf32, #tpu.memory_space<hbm>> -> memref<640x64xf32, #tpu.memory_space<hbm>>
    %dma_wait3A_135 = arith.constant 0 : i32
    %dma_wait3A_136 = arith.constant 0 : i32
    %dma_wait3A_137 = tpu.memref_slice %arg4[%dma_wait3A_135, %dma_wait3A_136] : memref<819200x64xf32, #tpu.memory_space<hbm>> -> memref<640x64xf32, #tpu.memory_space<hbm>>
    tpu.wait_dma2 semaphore(%arg10 : memref<!tpu.dma_semaphore, #tpu.memory_space<semaphore_mem>>) src(%arg6 : memref<640x64xf32, #tpu.memory_space<vmem>>) dst(%dma_wait3A_137 : memref<640x64xf32, #tpu.memory_space<hbm>>)
    %dma_wait3A_138 = arith.constant 0 : i32
    %dma_wait3A_139 = arith.constant 0 : i32
    %dma_wait3A_140 = tpu.memref_slice %arg4[%dma_wait3A_138, %dma_wait3A_139] : memref<819200x64xf32, #tpu.memory_space<hbm>> -> memref<640x64xf32, #tpu.memory_space<hbm>>
    %dma_wait3A_141 = arith.constant 0 : i32
    %dma_wait3A_142 = arith.constant 0 : i32
    %dma_wait3A_143 = tpu.memref_slice %arg4[%dma_wait3A_141, %dma_wait3A_142] : memref<819200x64xf32, #tpu.memory_space<hbm>> -> memref<640x64xf32, #tpu.memory_space<hbm>>
    tpu.wait_dma2 semaphore(%arg11 : memref<!tpu.dma_semaphore, #tpu.memory_space<semaphore_mem>>) src(%arg7 : memref<640x64xf32, #tpu.memory_space<vmem>>) dst(%dma_wait3A_143 : memref<640x64xf32, #tpu.memory_space<hbm>>)
    return
  }
}

</mosaic_0001>

<sc_bundles>
// kernel: kernel.3.cloned.1.call-start
scs
__scs_entry_jumppad:
0x0: {  	(pc) =	sbr.rel $0x88, $3  }
0x1: {  	(tag) =	ssettag $0x0;
	lr =	simm.s32 $0x1  }
0x2: {  	[smem:$0x3F9F] =	sst lr;
	_ =	strace $0xD0000000  }
0x3: {  	_ = 	snop  }
0x4: {  	_ = 	snop  }
0x5: {  	_ = 	snop  }
0x6: {  	_ = 	snop  }
0x7: {  	_ = 	snop  }
__scs_overlays_trampoline_lowered:
0x8: {  	[smem:$0x3FAE] =	sst s0  }
0x9: {  	[smem:$0x3FAF] =	sst s1  }
0xa: {  	[smem:$0x3FB0] =	sst s2  }
0xb: {  	[smem:$0x3FB1] =	sst s3  }
0xc: {  	[smem:$0x3FB2] =	sst s4  }
0xd: {  	[smem:$0x3FB3] =	sst s5  }
0xe: {  	[smem:$0x3FB4] =	sst s6  }
0xf: {  	[smem:$0x3FB5] =	sst s7  }
0x10: {  	[smem:$0x3FB6] =	sst s8  }
0x11: {  	[smem:$0x3FB7] =	sst s9;
	s0 =	simm.s32 @!p0 $0x0  }
0x12: {  	s1 =	sld [smem:$0x3F9D];
	s0 =	simm.s32 @p0 $0x1  }
0x13: {  	[smem:$0x3FB8] =	sst s0;
	s0 =	simm.s32 @!p1 $0x0  }
0x14: {  	s2 =	sld [smem:$0x3F9C];
	s0 =	simm.s32 @p1 $0x1  }
0x15: {  	[smem:$0x3FB9] =	sst s0;
	s0 =	simm.s32 @!p2 $0x0  }
0x16: {  	s3 =	sld [smem:$0x3FDB];
	s0 =	simm.s32 @p2 $0x1  }
0x17: {  	s4 =	simm.s32 $0x1BF5;
	[smem:$0x3FBB] =	sst s0  }
0x18: {  	s0 =	sld [smem:$0x3F9E];
	_ =	swait.ge [sflag:s4], $0x0  }
0x19: {  	s7 =	sld [smem:$0x3F9F]  }
0x1a: {  	s8 =	sadd.s32 $0xFFFFE003, lr  }
0x1b: {  	s9 =	sadd.s32 $0xFFFFFEF7, lr;
	s5 =	simm.s32 $0xFFFFFFFF;
	p2 =	slt.u32 s8, $0xFFFFF086  }
0x1c: {  	p1 =	slt.u32 s9, $0xF7A;
	s5 =	simm.s32 @!p2 $0x0  }
0x1d: {  	s5 =	simm.s32 @p1 $0x1;
	p0 =	seq.s32 s7, s2  }
0x1e: {  	s7 =	smul.u32 @!p0 $0xF7A, s2;
	p2 =	seq.s32 @!p0 s5, $0x0  }
0x1f: {  	s9 =	smul.u32 $0xF7A, s1;
	s8 =	simm.s32 @!p0 $0x1BF5;
	p2 =	por !p2, p0  }
0x20: {  	[sflag:s8] =	ssyncset.s32 @!p0 $0xFFFFF086;
	s6 =	sadd.s32 @!p0 s3, s7;
	s7 =	simm.s32 @!p0 $0x108  }
0x21: {  	s3 =	sadd.s32 s3, s9;
	s6 =	sadd.s32 @!p0 $0x88, s6;
	s7 =	simm.s32 @p2 $0x1082  }
0x22: {  	[simem:s7], [sflag:s8] =	dma.local @!p0 [hbm:s6], $0xF7A  }
0x23: {  	s9 =	sor.u32 $0xD0000000, s2;
	s6 =	simm.s32 $0x108;
	_ =	swait.ge @!p0 [sflag:s8], $0x0  }
0x24: {  	s3 =	sadd.s32 $0x88, s3;
	s6 =	simm.s32 @!p1 $0x1082;
	[sflag:s4] =	ssyncset.s32 $0xFFFFF086  }
0x25: {  	[simem:s6], [sflag:s4] =	dma.local [hbm:s3], $0xF7A  }
0x26: {  	[smem:$0x3F9F] =	sst s1;
	(tag) =	ssettag s2;
	_ =	strace s9  }
0x27: {  	s1 =	sld [smem:$0x3FAF]  }
0x28: {  	s2 =	sld [smem:$0x3FB0]  }
0x29: {  	s4 =	sld [smem:$0x3FB2]  }
0x2a: {  	p0 =	seq.s32 s5, $0x0;
	s5 =	sld [smem:$0x3FB3]  }
0x2b: {  	s6 =	sld [smem:$0x3FB4]  }
0x2c: {  	s7 =	sld [smem:$0x3FB5]  }
0x2d: {  	s3 =	simm.s32 $0x108;
	s8 =	sld [smem:$0x3FB6]  }
0x2e: {  	s3 =	simm.s32 @!p0 $0x1082;
	s9 =	sld [smem:$0x3FB7]  }
0x2f: {  	lr =	sadd.s32 s0, s3;
	s0 =	sld [smem:$0x3FAE]  }
0x30: {  	s3 =	sld [smem:$0x3FB1]  }
0x31: {  	[smem:$0x3FBA] =	sst s10  }
0x32: {  	s10 =	sld [smem:$0x3FB8];
	_ =	sdelay $0x3  }
0x33: {  	p0 =	seq.s32 s10, $0x1;
	s10 =	sld [smem:$0x3FBA];
	_ =	sdelay $0x3  }
0x34: {  	[smem:$0x3FBA] =	sst s10  }
0x35: {  	s10 =	sld [smem:$0x3FB9];
	_ =	sdelay $0x3  }
0x36: {  	p1 =	seq.s32 s10, $0x1;
	s10 =	sld [smem:$0x3FBA];
	_ =	sdelay $0x3  }
0x37: {  	[smem:$0x3FBA] =	sst s10  }
0x38: {  	s10 =	sld [smem:$0x3FBB]  }
0x39: {  	_ = 	snop;
	(pc) =	sbr.ind lr, $3  }
0x3a: {  	_ = 	snop  }
0x3b: {  	_ = 	snop  }
0x3c: {  	p2 =	seq.s32 s10, $0x1;
	s10 =	sld [smem:$0x3FBA]  }
0x3d: {  	_ =	shalt  }
0x3e: {  	_ =	shalt  }
0x3f: {  	_ =	shalt  }
0x40: {  	_ =	shalt  }
0x41: {  	_ =	shalt  }
0x42: {  	_ =	shalt  }
0x43: {  	_ =	shalt  }
0x44: {  	_ =	shalt  }
0x45: {  	_ =	shalt  }
0x46: {  	_ =	shalt  }
0x47: {  	_ =	shalt  }
0x48: {  	_ =	shalt  }
0x49: {  	_ =	shalt  }
0x4a: {  	_ =	shalt  }
0x4b: {  	_ =	shalt  }
0x4c: {  	_ =	shalt  }
0x4d: {  	_ =	shalt  }
0x4e: {  	_ =	shalt  }
0x4f: {  	_ =	shalt  }
0x50: {  	_ =	shalt  }
0x51: {  	_ =	shalt  }
0x52: {  	_ =	shalt  }
0x53: {  	_ =	shalt  }
0x54: {  	_ =	shalt  }
0x55: {  	_ =	shalt  }
0x56: {  	_ =	shalt  }
0x57: {  	_ =	shalt  }
0x58: {  	_ =	shalt  }
0x59: {  	_ =	shalt  }
0x5a: {  	_ =	shalt  }
0x5b: {  	_ =	shalt  }
0x5c: {  	_ =	shalt  }
0x5d: {  	_ =	shalt  }
0x5e: {  	_ =	shalt  }
0x5f: {  	_ =	shalt  }
0x60: {  	_ =	shalt  }
0x61: {  	_ =	shalt  }
0x62: {  	_ =	shalt  }
0x63: {  	_ =	shalt  }
0x64: {  	_ =	shalt  }
0x65: {  	_ =	shalt  }
0x66: {  	_ =	shalt  }
0x67: {  	_ =	shalt  }
0x68: {  	_ =	shalt  }
0x69: {  	_ =	shalt  }
0x6a: {  	_ =	shalt  }
0x6b: {  	_ =	shalt  }
0x6c: {  	_ =	shalt  }
0x6d: {  	_ =	shalt  }
0x6e: {  	_ =	shalt  }
0x6f: {  	_ =	shalt  }
0x70: {  	_ =	shalt  }
0x71: {  	_ =	shalt  }
0x72: {  	_ =	shalt  }
0x73: {  	_ =	shalt  }
0x74: {  	_ =	shalt  }
0x75: {  	_ =	shalt  }
0x76: {  	_ =	shalt  }
0x77: {  	_ =	shalt  }
0x78: {  	_ =	shalt  }
0x79: {  	_ =	shalt  }
0x7a: {  	_ =	shalt  }
0x7b: {  	_ =	shalt  }
0x7c: {  	_ =	shalt  }
0x7d: {  	_ =	shalt  }
0x7e: {  	_ =	shalt  }
0x7f: {  	_ =	shalt  }
0x80: {  	_ =	shalt  }
0x81: {  	_ =	shalt  }
0x82: {  	_ =	shalt  }
0x83: {  	_ =	shalt  }
0x84: {  	_ =	shalt  }
0x85: {  	_ =	shalt  }
0x86: {  	_ =	shalt  }
0x87: {  	_ =	shalt  }
.Lfunc_end0:
.L_simem_size_0:
called_computation.1_lowered:
.L_overlay_start_0:
0x88: {  	s2 =	sld [smem:$0x3FD9]  }
0x89: {  	s3 =	sld [smem:$0x3FFE];
	_ =	sdelay $0x1  }
0x8a: {  	s1 =	srdreg.scid  }
0x8b: {  	s0 =	sand.u32 $0x1, s1  }
0x8c: {  	s17 =	sshll.u32 s0, $0xA;
	s2 =	sadd.s32 s3, s2  }
0x8d: {  	s2 =	sadd.s32 s2, s17  }
0x8e: {  	[smem:$0x3FC6] =	sst s2  }
0x8f: {  	_ = 	snop  }
0x90: {  	s2 =	sld [smem:$0x3FD0];
	(tm) =	ssettm $0x1  }
0x91: {  	s18 =	sld [smem:$0x3FFB];
	_ =	sdelay $0x3  }
0x92: {  	_ =	strace s18  }
0x93: {  	s3 =	sld [smem:$0x3FFC];
	_ =	sdelay $0x3  }
0x94: {  	_ =	strace s3  }
0x95: {  	s3 =	sld [smem:$0x3FFD];
	_ =	sdelay $0x3  }
0x96: {  	_ =	strace s3  }
0x97: {  	_ =	strace $0x8FFFFFFF  }
0x98: {  	s19 =	sld [smem:$0x3FDB];
	_ =	sdelay $0x1  }
0x99: {  	s4 =	simm.s32 $_scs_section_size  }
0x9a: {  	s5 =	simm.s32 $_size__tile_overlayer_lowered;
	s6 =	simm.s32 $_tile_overlayer_lowered  }
0x9b: {  	s22 =	simm.s32 $0x1BFF;
	s21 =	sshll.u32 s6, $0x1;
	s3 =	sadd.s32 s4, s19  }
0x9c: {  	s7 =	simm.s32 $0x0;
	s20 =	sshll.u32 s5, $0x1;
	s5 =	sadd.s32 s21, s3  }
0x9d: {  	[timem:s7], [sflag:s22] =	dma.local [hbm:s5], s20  }
0x9e: {  	_ =	swait.ge [sflag:s22], s20  }
0x9f: {  	s4 =	ssub.s32 $0x0, s20;
	[sflag:s22] =	ssyncset.done $0x0  }
0xa0: {  	[sflag:s22] =	ssyncadd.s32 s4;
	_ =	sdelay $0x1  }
0xa1: {  	s23 =	simm.s32 $0x1B8B  }
0xa2: {  	_ =	swait.ge [sflag:s23], $0x1  }
0xa3: {  	[sflag:s23] =	ssyncset.done $0x0  }
0xa4: {  	s25 =	simm.s32 $0x1B8E;
	s24 =	sld [smem:$0x3FFE];
	[sflag:s23] =	ssyncadd.s32 $0xFFFFFFFF  }
0xa5: {  	s26 =	simm.s32 $execute0_lowered;
	[smem:$0x3FD2] =	sst s25  }
0xa6: {  	s5 =	sshll.u32 s26, $0x1;
	_ =	strace $0x80000046;
	[dreg:$0x1] =	wrdreg $0xFFFFFFFF  }
0xa7: {  	s28 =	simm.s32 $_size_execute0_lowered;
	s3 =	sadd.s32 s3, s5;
	[dreg:$0x0] =	wrdreg $0x0  }
0xa8: {  	s5 =	sshll.u32 s28, $0x1;
	[dreg:$0x2] =	wrdreg s3  }
0xa9: {  	[dreg:$0x3] =	wrdreg s5  }
0xaa: {  	[dreg:$0x4] =	wrdreg $0xC0  }
0xab: {  	_ =	task [dreg:s7], $0x5FFFF  }
0xac: {  	[dreg:$0x1] =	wrdreg $0xFFFFFFFF  }
0xad: {  	[dreg:$0x0] =	wrdreg $0x60  }
0xae: {  	[dreg:$0x2] =	wrdreg s24  }
0xaf: {  	[dreg:$0x3] =	wrdreg s2  }
0xb0: {  	[dreg:$0x4] =	wrdreg $0x9  }
0xb1: {  	_ =	task.clear_ibuf [dreg:s7], $0x5FFFF;
	_ =	strace $0x90000046  }
0xb2: {  	s29 =	simm.s32 $0x9;
	_ =	strace $0x80000048  }
0xb3: {  	_ =	swait.ge [sflag:s29], $0x1  }
0xb4: {  	[sflag:s29] =	ssyncadd.s32 $0xFFFFFFFF  }
0xb5: {  	_ =	strace $0x90000048  }
0xb6: {  	_ =	sfence  }
0xb7: {  	s30 =	sld [smem:$0x0];
	_ =	sdelay $0x2  }
0xb8: {  	s31 =	sshll.u32 s1, $0xD;
	s1 =	sshrl.u32 s1, $0x2  }
0xb9: {  	s3 =	sand.u32 $0x4000, s31;
	s1 =	sadd.s32 s1, s30  }
0xba: {  	s0 =	sor.u32 s3, s0;
	s1 =	sshll.u32 s1, $0x11  }
0xbb: {  	s0 =	sor.u32 s1, s0  }
0xbc: {  	s0 =	sadd.s32 $0x8F2B, s0  }
0xbd: {  	[sflag:s0] =	ssyncadd.remote.s32 $0x1  }
0xbe: {  	_ =	sfence.sel $0xFFFF  }
0xbf: {  	[dreg:$0x0] =	wrdreg $0xFFFFFFFF;
	(pc) =	sbr.abs _section_cstart, $3  }
0xc0: {  	[dreg:$0x1] =	wrdreg $0xFFFFFFFF  }
0xc1: {  	_ =	task.clear_ibuf [dreg:s7], $0x2FFFF;
	_ =	strace $0x9FFFFFFF  }
0xc2: {  	(tm) =	ssettm $0x7FFFFFFF  }
0xc3: {  	_ =	shalt  }
tec
execute0_lowered:
.L_overlay_start_1:
0x0: {  	(tag) =	ssettag $0x1  }
0x1: {  	s0 =	srdreg.scid  }
0x2: {  	s3 =	stileid.u32;
	s1 =	rddreg [dreg:$0x0]  }
0x3: {  	s8 =	rddreg [dreg:$0x1];
	s11 =	simm.s32 $0x80;
	s12 =	simm.s32 $0x6400  }
0x4: {  	s13 =	simm.s32 $0x8400;
	s15 =	simm.s32 $0xA400;
	s17 =	simm.s32 $0xC400  }
0x5: {  	s19 =	simm.s32 $0xE400;
	s21 =	simm.s32 $0x10400;
	s23 =	simm.s32 $0x12400  }
0x6: {  	s25 =	simm.s32 $0x14400;
	s28 =	simm.s32 $0x16400;
	s30 =	simm.s32 $0x18400  }
0x7: {  	s31 =	simm.s32 $0x1;
	s14 =	simm.s32 $0x4;
	s16 =	simm.s32 $0x0  }
0x8: {  	s0 =	sand.u32 $0x1, s0;
	s2 =	sshll.u32 s3, $0x1;
	s9 =	smul.u32 $0xC800, s3  }
0x9: {  	s4 =	sor.u32 s0, s2;
	s7 =	ssub.s32 $0x2, s0;
	s0 =	smul.u32 $0x6400, s0  }
0xa: {  	s3 =	sadd.s32 $0x19800, s1;
	s2 =	simm.s32 $0x0;
	s5 =	smul.u32 $0xC80, s4  }
0xb: {  	[smem:$0x7FF] =	sst s2;
	s6 =	smul.u32 $0x190000, s4;
	s10 =	sshrl.u32 s7, $0x1  }
0xc: {  	s26 =	smul.u32 $0x32000, s4;
	_ =	strace $0x80000047;
	s7 =	ssub.s32 s7, s10  }
0xd: {  	s0 =	sadd.s32 s0, s9;
	s10 =	simm.s32 $0x5;
	s1 =	sadd.s32 s5, s1  }
0xe: {  	s29 =	sshrl.u32 s6, $0x3;
	s5 =	sadd.s32 s8, s26;
	s0 =	sshll.u32 s0, $0x3  }
0xf: {  	s4 =	sadd.s32 $0x800, s1;
	s1 =	sadd.s32 s8, s29;
	s0 =	sadd.s32 s8, s0  }
0x10: {  	s7 =	smax.u32 s7, $0x1;
	s6 =	sadd.s32 $0x30C00, s1;
	s8 =	sadd.s32 $0x1400, s0  }
0x11: {  	s24 =	sadd.s32 $0x2800, s0;
	s1 =	simm.s32 $0x3;
	s0 =	simm.s32 $0x2  }
.LBB2_1:
0x12: {  	[tilespmem:s2], [sflag:$0x5] =	stream.linear.gather [hbm4b:s4+s2], $0x6400, $0x38;
	[tilespmem:$0x1A400] =	vst v63  }
0x13: {  	_ =	swait.ge [sflag:s10], $0x6400  }
0x14: {  	[sflag:s10] =	ssyncset.done $0x0  }
0x15: {  	[sflag:s10] =	ssyncadd.s32 $0xFFFF9C00  }
0x16: {  	[tilespmem:s12], [sflag:$0x1] =	stream.indirect.gather [hbm4b:s3+s11], $0x40, s2, s11, $0xb8;
	[tilespmem:$0x1A400] =	vst v63  }
0x17: {  	_ = 	snop  }
0x18: {  	[tilespmem:s13], [sflag:$0x1] =	stream.indirect.gather [hbm4b:s3+s11], $0x40, s11, s11, $0xb8;
	[tilespmem:$0x1A400] =	vst v63  }
0x19: {  	s9 =	simm.s32 $0x100  }
0x1a: {  	[tilespmem:s15], [sflag:$0x1] =	stream.indirect.gather [hbm4b:s3+s11], $0x40, s9, s11, $0xb8;
	[tilespmem:$0x1A400] =	vst v63  }
0x1b: {  	s26 =	simm.s32 $0x180  }
0x1c: {  	[tilespmem:s17], [sflag:$0x1] =	stream.indirect.gather [hbm4b:s3+s11], $0x40, s26, s11, $0xb8;
	[tilespmem:$0x1A400] =	vst v63  }
0x1d: {  	s29 =	simm.s32 $0x200  }
0x1e: {  	[tilespmem:s19], [sflag:$0x1] =	stream.indirect.gather [hbm4b:s3+s11], $0x40, s29, s11, $0xb8;
	[tilespmem:$0x1A400] =	vst v63  }
0x1f: {  	s18 =	simm.s32 $0x280  }
0x20: {  	[tilespmem:s21], [sflag:$0x2] =	stream.indirect.gather [hbm4b:s3+s11], $0x40, s18, s11, $0xb8;
	[tilespmem:$0x1A400] =	vst v63  }
0x21: {  	s20 =	simm.s32 $0x300  }
0x22: {  	[tilespmem:s23], [sflag:$0x2] =	stream.indirect.gather [hbm4b:s3+s11], $0x40, s20, s11, $0xb8;
	[tilespmem:$0x1A400] =	vst v63  }
0x23: {  	s22 =	simm.s32 $0x380  }
0x24: {  	[tilespmem:s25], [sflag:$0x2] =	stream.indirect.gather [hbm4b:s3+s11], $0x40, s22, s11, $0xb8;
	[tilespmem:$0x1A400] =	vst v63  }
0x25: {  	s26 =	simm.s32 $0x400  }
0x26: {  	[tilespmem:s28], [sflag:$0x2] =	stream.indirect.gather [hbm4b:s3+s11], $0x40, s26, s11, $0xb8;
	[tilespmem:$0x1A400] =	vst v63  }
0x27: {  	s29 =	simm.s32 $0x480  }
0x28: {  	[tilespmem:s30], [sflag:$0x2] =	stream.indirect.gather [hbm4b:s3+s11], $0x40, s29, s11, $0xb8;
	[tilespmem:$0x1A400] =	vst v63  }
0x29: {  	_ =	swait.ge [sflag:s31], $0xA000  }
0x2a: {  	[sflag:s31] =	ssyncset.done $0x0  }
0x2b: {  	[sflag:s31] =	ssyncadd.s32 $0xFFFF6000  }
0x2c: {  	[hbm4b:s5+s2] =	stream.linear.scatter [tilespmem:s12], [sflag:$0x3], $0xA000, $0x38;
	[tilespmem:$0x1A400] =	vst v63  }
0x2d: {  	_ =	swait.ge [sflag:s1], $0xA000  }
0x2e: {  	[sflag:s1] =	ssyncset.done $0x0  }
0x2f: {  	s18 =	simm.s32 $0x500;
	[sflag:s1] =	ssyncadd.s32 $0xFFFF6000  }
0x30: {  	[tilespmem:s12], [sflag:$0x1] =	stream.indirect.gather [hbm4b:s3+s11], $0x40, s18, s11, $0xb8;
	[tilespmem:$0x1A400] =	vst v63  }
0x31: {  	s20 =	simm.s32 $0x580  }
0x32: {  	[tilespmem:s13], [sflag:$0x1] =	stream.indirect.gather [hbm4b:s3+s11], $0x40, s20, s11, $0xb8;
	[tilespmem:$0x1A400] =	vst v63  }
0x33: {  	s22 =	simm.s32 $0x600  }
0x34: {  	[tilespmem:s15], [sflag:$0x1] =	stream.indirect.gather [hbm4b:s3+s11], $0x40, s22, s11, $0xb8;
	[tilespmem:$0x1A400] =	vst v63  }
0x35: {  	s26 =	simm.s32 $0x680  }
0x36: {  	[tilespmem:s17], [sflag:$0x1] =	stream.indirect.gather [hbm4b:s3+s11], $0x40, s26, s11, $0xb8;
	[tilespmem:$0x1A400] =	vst v63  }
0x37: {  	s29 =	simm.s32 $0x700  }
0x38: {  	[tilespmem:s19], [sflag:$0x1] =	stream.indirect.gather [hbm4b:s3+s11], $0x40, s29, s11, $0xb8;
	[tilespmem:$0x1A400] =	vst v63  }
0x39: {  	_ =	swait.ge [sflag:s0], $0xA000  }
0x3a: {  	[sflag:s0] =	ssyncset.done $0x0  }
0x3b: {  	[sflag:s0] =	ssyncadd.s32 $0xFFFF6000  }
0x3c: {  	[hbm4b:s8+s2] =	stream.linear.scatter [tilespmem:s21], [sflag:$0x4], $0xA000, $0x38;
	[tilespmem:$0x1A400] =	vst v63  }
0x3d: {  	_ =	swait.ge [sflag:s14], $0xA000  }
0x3e: {  	[sflag:s14] =	ssyncset.done $0x0  }
0x3f: {  	s18 =	simm.s32 $0x780;
	[sflag:s14] =	ssyncadd.s32 $0xFFFF6000  }
0x40: {  	[tilespmem:s21], [sflag:$0x2] =	stream.indirect.gather [hbm4b:s3+s11], $0x40, s18, s11, $0xb8;
	[tilespmem:$0x1A400] =	vst v63  }
0x41: {  	s20 =	simm.s32 $0x800  }
0x42: {  	[tilespmem:s23], [sflag:$0x2] =	stream.indirect.gather [hbm4b:s3+s11], $0x40, s20, s11, $0xb8;
	[tilespmem:$0x1A400] =	vst v63  }
0x43: {  	s22 =	simm.s32 $0x880  }
0x44: {  	[tilespmem:s25], [sflag:$0x2] =	stream.indirect.gather [hbm4b:s3+s11], $0x40, s22, s11, $0xb8;
	[tilespmem:$0x1A400] =	vst v63  }
0x45: {  	s26 =	simm.s32 $0x900  }
0x46: {  	[tilespmem:s28], [sflag:$0x2] =	stream.indirect.gather [hbm4b:s3+s11], $0x40, s26, s11, $0xb8;
	[tilespmem:$0x1A400] =	vst v63  }
0x47: {  	s29 =	simm.s32 $0x980  }
0x48: {  	[tilespmem:s30], [sflag:$0x2] =	stream.indirect.gather [hbm4b:s3+s11], $0x40, s29, s11, $0xb8;
	[tilespmem:$0x1A400] =	vst v63  }
0x49: {  	_ =	swait.ge [sflag:s31], $0xA000  }
0x4a: {  	s9 =	smov.u32 s24;
	s18 =	simm.s32 $0x1400;
	[sflag:s31] =	ssyncset.done $0x0  }
0x4b: {  	s20 =	sadd.s32 $0x2800, s8;
	s22 =	sadd.s32 $0x2800, s24;
	[sflag:s31] =	ssyncadd.s32 $0xFFFF6000  }
.LBB2_2:
0x4c: {  	[hbm4b:s9+s2] =	stream.linear.scatter [tilespmem:s12], [sflag:$0x3], $0xA000, $0x38;
	[tilespmem:$0x1A400] =	vst v63  }
0x4d: {  	s26 =	smov.u32 s18;
	s9 =	smov.u32 s22  }
0x4e: {  	p0 =	sne.s32 s18, $0x16800;
	s18 =	sadd.s32 $0x1400, s18;
	_ =	swait.ge [sflag:s1], $0xA000  }
0x4f: {  	s26 =	sshra.s32 s26, $0x2;
	[sflag:s1] =	ssyncset.done $0x0  }
0x50: {  	s29 =	sadd.s32 $0x500, s26;
	[sflag:s1] =	ssyncadd.s32 $0xFFFF6000  }
0x51: {  	[tilespmem:s12], [sflag:$0x1] =	stream.indirect.gather [hbm4b:s3+s11], $0x40, s29, s11, $0xb8;
	[tilespmem:$0x1A400] =	vst v63  }
0x52: {  	s29 =	sadd.s32 $0x580, s26  }
0x53: {  	[tilespmem:s13], [sflag:$0x1] =	stream.indirect.gather [hbm4b:s3+s11], $0x40, s29, s11, $0xb8;
	[tilespmem:$0x1A400] =	vst v63  }
0x54: {  	s29 =	sadd.s32 $0x600, s26  }
0x55: {  	[tilespmem:s15], [sflag:$0x1] =	stream.indirect.gather [hbm4b:s3+s11], $0x40, s29, s11, $0xb8;
	[tilespmem:$0x1A400] =	vst v63  }
0x56: {  	s29 =	sadd.s32 $0x680, s26  }
0x57: {  	[tilespmem:s17], [sflag:$0x1] =	stream.indirect.gather [hbm4b:s3+s11], $0x40, s29, s11, $0xb8;
	[tilespmem:$0x1A400] =	vst v63  }
0x58: {  	s29 =	sadd.s32 $0x700, s26  }
0x59: {  	[tilespmem:s19], [sflag:$0x1] =	stream.indirect.gather [hbm4b:s3+s11], $0x40, s29, s11, $0xb8;
	[tilespmem:$0x1A400] =	vst v63  }
0x5a: {  	_ =	swait.ge [sflag:s0], $0xA000  }
0x5b: {  	[sflag:s0] =	ssyncset.done $0x0  }
0x5c: {  	[sflag:s0] =	ssyncadd.s32 $0xFFFF6000  }
0x5d: {  	[hbm4b:s20+s2] =	stream.linear.scatter [tilespmem:s21], [sflag:$0x4], $0xA000, $0x38;
	[tilespmem:$0x1A400] =	vst v63  }
0x5e: {  	_ =	swait.ge [sflag:s14], $0xA000  }
0x5f: {  	[sflag:s14] =	ssyncset.done $0x0  }
0x60: {  	s29 =	sadd.s32 $0x780, s26;
	[sflag:s14] =	ssyncadd.s32 $0xFFFF6000  }
0x61: {  	[tilespmem:s21], [sflag:$0x2] =	stream.indirect.gather [hbm4b:s3+s11], $0x40, s29, s11, $0xb8;
	[tilespmem:$0x1A400] =	vst v63  }
0x62: {  	s29 =	sadd.s32 $0x800, s26  }
0x63: {  	[tilespmem:s23], [sflag:$0x2] =	stream.indirect.gather [hbm4b:s3+s11], $0x40, s29, s11, $0xb8;
	[tilespmem:$0x1A400] =	vst v63  }
0x64: {  	s29 =	sadd.s32 $0x880, s26  }
0x65: {  	[tilespmem:s25], [sflag:$0x2] =	stream.indirect.gather [hbm4b:s3+s11], $0x40, s29, s11, $0xb8;
	[tilespmem:$0x1A400] =	vst v63  }
0x66: {  	s29 =	sadd.s32 $0x900, s26  }
0x67: {  	[tilespmem:s28], [sflag:$0x2] =	stream.indirect.gather [hbm4b:s3+s11], $0x40, s29, s11, $0xb8;
	[tilespmem:$0x1A400] =	vst v63  }
.Ltmp0:
0x68: {  	s26 =	sadd.s32 $0x980, s26;
	(pc) =	sbr.rel @p0 .LBB2_2-.Ltmp0, $4  }
0x69: {  	[tilespmem:s30], [sflag:$0x2] =	stream.indirect.gather [hbm4b:s3+s11], $0x40, s26, s11, $0xb8;
	[tilespmem:$0x1A400] =	vst v63  }
0x6a: {  	_ =	swait.ge [sflag:s31], $0xA000  }
0x6b: {  	[sflag:s31] =	ssyncset.done $0x0  }
0x6c: {  	s22 =	sadd.s32 $0x2800, s22;
	s20 =	sadd.s32 $0x2800, s20;
	[sflag:s31] =	ssyncadd.s32 $0xFFFF6000  }
0x6d: {  	[hbm4b:s9+s2] =	stream.linear.scatter [tilespmem:s12], [sflag:$0x3], $0xA000, $0x38;
	[tilespmem:$0x1A400] =	vst v63  }
0x6e: {  	_ =	swait.ge [sflag:s0], $0xA000  }
0x6f: {  	[sflag:s0] =	ssyncset.done $0x0  }
0x70: {  	s16 =	sadd.s32 $0x1, s16;
	[sflag:s0] =	ssyncadd.s32 $0xFFFF6000  }
0x71: {  	[hbm4b:s6+s2] =	stream.linear.scatter [tilespmem:s21], [sflag:$0x4], $0xA000, $0x38;
	[tilespmem:$0x1A400] =	vst v63  }
0x72: {  	p0 =	sne.s32 s16, s7;
	_ =	swait.ge [sflag:s1], $0xA000  }
.Ltmp1:
0x73: {  	[sflag:s1] =	ssyncset.done $0x0;
	(pc) =	sbr.rel @p0 .LBB2_1-.Ltmp1, $4  }
0x74: {  	[sflag:s1] =	ssyncadd.s32 $0xFFFF6000  }
0x75: {  	_ =	swait.ge [sflag:s14], $0xA000  }
0x76: {  	[sflag:s14] =	ssyncset.done $0x0  }
0x77: {  	[sflag:s14] =	ssyncadd.s32 $0xFFFF6000  }
0x78: {  	_ =	sfence.sel $0x180000  }
0x79: {  	[bflag:$0x0] =	sbarrier.arrive $0xFFFF  }
0x7a: {  	_ =	strace $0x90000047  }
0x7b: {  	s0 =	stileid.u32;
	[bflag:$0x2] =	sbarrier.arrive $0xFFFF  }
0x7c: {  	p0 =	sne.s32 s0, $0x0;
	s0 =	rddreg [dreg:$0x2]  }
0x7d: {  	s0 =	sadd.s32 @!p0 $0x100000, s0  }
0x7e: {  	[sflag:s0] =	ssyncadd.tile.s32 @!p0 $0x1;
	_ =	shalt  }
.Lfunc_end2:
_tile_overlayer_lowered:
.L_overlay_start_2:
0x7f: {  	(tag) =	ssettag $0x2  }
0x80: {  	s0 =	rddreg [dreg:$0x0];
	s2 =	stileid.u32  }
0x81: {  	s1 =	rddreg [dreg:$0x1];
	p0 =	sne.s32 s2, $0x0  }
0x82: {  	s3 =	rddreg [dreg:$0x2];
	[bflag:$0x3] =	sbarrier.arrive $0xFFFF;
	s2 =	simm.s32 @!p0 $0x1C05  }
0x83: {  	[timem:s3], [sflag:s2] =	dma.local @!p0 [hbm:s0], s1  }
0x84: {  	s0 =	simm.s32 @!p0 $0x5  }
0x85: {  	_ =	swait.ge @!p0 [sflag:s0], s1  }
0x86: {  	s1 =	ssub.s32 @!p0 $0x0, s1;
	[sflag:s0] =	ssyncset.done @!p0 $0x0  }
0x87: {  	[sflag:s0] =	ssyncadd.s32 @!p0 s1  }
0x88: {  	[bflag:$0x3] =	sbarrier.arrive $0xFFFF  }
0x89: {  	_ =	shalt  }

// kernel: sparse-core-data-format-call.cloned.1.call-start
scs
called_computation_lowered:
.L_overlay_start_0:
0x0: {  	s2 =	sld [smem:$0x3FD9]  }
0x1: {  	s3 =	sld [smem:$0x3FFE];
	_ =	sdelay $0x1  }
0x2: {  	s1 =	srdreg.scid  }
0x3: {  	s0 =	sand.u32 $0x1, s1  }
0x4: {  	s18 =	sshll.u32 s0, $0xA;
	s2 =	sadd.s32 s3, s2  }
0x5: {  	s2 =	sadd.s32 s2, s18  }
0x6: {  	[smem:$0x3FC6] =	sst s2  }
0x7: {  	_ = 	snop  }
0x8: {  	s2 =	sld [smem:$0x3FD0];
	(tm) =	ssettm $0x1  }
0x9: {  	s19 =	sld [smem:$0x3FFB];
	_ =	sdelay $0x3  }
0xa: {  	_ =	strace s19  }
0xb: {  	s3 =	sld [smem:$0x3FFC];
	_ =	sdelay $0x3  }
0xc: {  	_ =	strace s3  }
0xd: {  	s3 =	sld [smem:$0x3FFD];
	_ =	sdelay $0x3  }
0xe: {  	_ =	strace s3  }
0xf: {  	_ =	strace $0x8FFFFFFF  }
0x10: {  	s20 =	sld [smem:$0x3FDB];
	_ =	sdelay $0x1  }
0x11: {  	s4 =	simm.s32 $_scs_section_size  }
0x12: {  	s5 =	simm.s32 $_size__tile_overlayer_lowered;
	s6 =	simm.s32 $_tile_overlayer_lowered  }
0x13: {  	s23 =	simm.s32 $0x1BFF;
	s22 =	sshll.u32 s6, $0x1;
	s3 =	sadd.s32 s4, s20  }
0x14: {  	s7 =	simm.s32 $0x0;
	s21 =	sshll.u32 s5, $0x1;
	s5 =	sadd.s32 s22, s3  }
0x15: {  	[timem:s7], [sflag:s23] =	dma.local [hbm:s5], s21  }
0x16: {  	_ =	swait.ge [sflag:s23], s21  }
0x17: {  	s4 =	ssub.s32 $0x0, s21;
	[sflag:s23] =	ssyncset.done $0x0  }
0x18: {  	[sflag:s23] =	ssyncadd.s32 s4;
	_ =	sdelay $0x1  }
0x19: {  	s24 =	simm.s32 $0x1B8B  }
0x1a: {  	_ =	swait.ge [sflag:s24], $0x1  }
0x1b: {  	[sflag:s24] =	ssyncset.done $0x0  }
0x1c: {  	s26 =	simm.s32 $0x1B8E;
	s25 =	sld [smem:$0x3FFE];
	[sflag:s24] =	ssyncadd.s32 $0xFFFFFFFF  }
0x1d: {  	s27 =	simm.s32 $execute0_lowered;
	[smem:$0x3FD2] =	sst s26  }
0x1e: {  	s5 =	sshll.u32 s27, $0x1;
	_ =	strace $0x80000049;
	[dreg:$0x1] =	wrdreg $0xFFFFFFFF  }
0x1f: {  	s28 =	simm.s32 $_size_execute0_lowered;
	s3 =	sadd.s32 s3, s5;
	[dreg:$0x0] =	wrdreg $0x0  }
0x20: {  	s5 =	sshll.u32 s28, $0x1;
	[dreg:$0x2] =	wrdreg s3  }
0x21: {  	[dreg:$0x3] =	wrdreg s5  }
0x22: {  	[dreg:$0x4] =	wrdreg $0xC0  }
0x23: {  	_ =	task [dreg:s7], $0x5FFFF  }
0x24: {  	[dreg:$0x1] =	wrdreg $0xFFFFFFFF  }
0x25: {  	[dreg:$0x0] =	wrdreg $0x60  }
0x26: {  	[dreg:$0x2] =	wrdreg s25  }
0x27: {  	[dreg:$0x3] =	wrdreg s2  }
0x28: {  	[dreg:$0x4] =	wrdreg $0x9  }
0x29: {  	_ =	task.clear_ibuf [dreg:s7], $0x5FFFF;
	_ =	strace $0x90000049  }
0x2a: {  	s29 =	simm.s32 $0x9;
	_ =	strace $0x8000004B  }
0x2b: {  	_ =	swait.ge [sflag:s29], $0x1  }
0x2c: {  	[sflag:s29] =	ssyncadd.s32 $0xFFFFFFFF  }
0x2d: {  	_ =	strace $0x9000004B  }
0x2e: {  	_ =	sfence  }
0x2f: {  	s30 =	sld [smem:$0x0];
	_ =	sdelay $0x2  }
0x30: {  	s31 =	sshll.u32 s1, $0xD;
	s1 =	sshrl.u32 s1, $0x2  }
0x31: {  	s3 =	sand.u32 $0x4000, s31;
	s1 =	sadd.s32 s1, s30  }
0x32: {  	s0 =	sor.u32 s3, s0;
	s1 =	sshll.u32 s1, $0x11  }
0x33: {  	s0 =	sor.u32 s1, s0  }
0x34: {  	s0 =	sadd.s32 $0x8F2B, s0  }
0x35: {  	[sflag:s0] =	ssyncadd.remote.s32 $0x1  }
0x36: {  	_ =	sfence.sel $0xFFFF  }
0x37: {  	[dreg:$0x0] =	wrdreg $0xFFFFFFFF;
	(pc) =	sbr.abs _section_cstart, $3  }
0x38: {  	[dreg:$0x1] =	wrdreg $0xFFFFFFFF  }
0x39: {  	_ =	task.clear_ibuf [dreg:s7], $0x2FFFF;
	_ =	strace $0x9FFFFFFF  }
0x3a: {  	(tm) =	ssettm $0x7FFFFFFF  }
0x3b: {  	_ =	shalt  }
tec
execute0_lowered:
.L_overlay_start_1:
0x0: {  	(tag) =	ssettag $0x1  }
0x1: {  	s0 =	srdreg.scid  }
0x2: {  	s1 =	sshll.u32 s0, $0x4  }
0x3: {  	s0 =	stileid.u32;
	s1 =	sand.u32 $0x10, s1  }
0x4: {  	s1 =	sor.u32 s0, s1  }
0x5: {  	s6 =	rddreg [dreg:$0x0];
	s4 =	simm.s32 $0x1;
	s2 =	sshll.u32 s1, $0x7  }
0x6: {  	s7 =	simm.s32 $0x2;
	s12 =	simm.s32 $0x0;
	s1 =	ssub.s32 $0x1000, s2  }
0x7: {  	s8 =	simm.s32 $0x8000;
	s13 =	simm.s32 $0x0;
	s3 =	sand.u32 $0xF80, s1  }
0x8: {  	s9 =	simm.s32 $0x0;
	s5 =	sshrl.u32 s1, $0xC;
	p0 =	sne.s32 s3, $0x0  }
.Ltmp0:
0x9: {  	s1 =	rddreg [dreg:$0x2];
	s4 =	simm.s32 @!p0 $0x0;
	(pc) =	sbr.rel .LBB1_1-.Ltmp0, $4  }
0xa: {  	s11 =	simm.s32 $0x0;
	s3 =	rddreg [dreg:$0x1];
	s5 =	sadd.s32 s4, s5  }
0xb: {  	_ =	strace $0x8000004A;
	s4 =	simm.s32 $0x1;
	s5 =	smul.u32 $0xC8, s5  }
0xc: {  	s6 =	sadd.s32 $0x800, s6;
	s10 =	smov.u32 s2;
	[sflag:s4] =	ssyncpa.u1 $0x0  }
0xd: {  	p0 =	por $0x0, $0x0;
	[sflag:s7] =	ssyncpa.u1 $0x0;
	s7 =	sor.u32 $0x1, s5  }
.LBB1_4:
0xe: {  	s16 =	sshll.u32 s13, $0x3;
	s17 =	sand.u32 $0x78, s13  }
0xf: {  	s30 =	sand.u32 $0x7E00, s13;
	s12 =	sshll.u32 s12, $0xF;
	s16 =	sand.u32 $0xC00, s16  }
0x10: {  	[tilespmem:s15+$0x810 ss:$0x81] =	vst.msk $0xffff, v2;
	s31 =	sand.u32 $0x7, s13;
	s16 =	sor.u32 s17, s16;
	s17 =	sadd.s32 s3, s30  }
0x11: {  	[tilespmem:s15+$0x1020 ss:$0x81] =	vst.msk $0xffff, v0;
	s13 =	sshll.u32 s31, $0x12;
	s12 =	sadd.s32 s12, s17;
	s16 =	sshrl.u32 s16, $0x3  }
0x12: {  	[tilespmem:s15+$0x0 ss:$0x81] =	vst.msk $0xffff, v1;
	s13 =	sor.u32 $0x400, s13;
	s12 =	sadd.s32 s16, s12  }
0x13: {  	[hbm4b:s12+s13] =	stream.strided.scatter [tilespmem:s14], [sflag:$0x2], $0x2000, s8, s13, $0x20;
	[tilespmem:$0x8080] =	vst v63  }
.LBB1_5:
0x14: {  	s14 =	sadd.s32 $0x1, s9  }
0x15: {  	s12 =	sadd.s32 $0x1000, s10;
	s16 =	smov.u32 s10;
	p2 =	sgt.s32 s14, $0xC7  }
0x16: {  	s16 =	smov.u32 @p2 s12  }
0x17: {  	s14 =	simm.s32 @p2 $0x0;
	p2 =	sgt.s32 s16, $0xFFF  }
0x18: {  	s16 =	smov.u32 @p2 s2;
	p2 =	sne.s32 s11, s7  }
.Ltmp1:
0x19: {  	p1 =	slt.u32 s11, $0x2;
	(pc) =	sbr.rel @!p2 .LBB1_6-.Ltmp1, $4  }
0x1a: {  	s15 =	simm.s32 @!p1 $0x2  }
0x1b: {  	s13 =	smov.u32 s10;
	p0 =	por !p0, !p0;
	_ =	swait.ge @!p1 [sflag:s15], $0x2000  }
0x1c: {  	s12 =	smov.u32 s9;
	[sflag:s15] =	ssyncset.done @!p1 $0x0;
	s9 =	smov.u32 s14  }
0x1d: {  	s11 =	sadd.s32 $0x1, s11;
	[sflag:s15] =	ssyncadd.s32 @!p1 $0xFFFFE000;
	s10 =	smov.u32 s16  }
.LBB1_1:
0x1e: {  	p1 =	sge.u32 s11, s5  }
0x1f: {  	s14 =	sand.u32 @!p1 $0x1FFFFFF, s9  }
0x20: {  	s15 =	smulhi.u32 @!p1 $0x147AE15, s14;
	_ =	sdelay $0x1  }
0x21: {  	s15 =	smul.u32 @!p1 $0xC8, s15  }
0x22: {  	s16 =	sxor.u32 @!p1 $0xFFFFFFFF, s11;
	s17 =	smul.u32 @!p1 $0xC80, s10  }
0x23: {  	s31 =	sadd.s32 $0xFFFFFFFF, s11;
	s16 =	sshll.u32 @!p1 s16, $0xD;
	s14 =	ssub.s32 @!p1 s14, s15  }
0x24: {  	s15 =	sand.u32 @!p1 $0x2000, s16;
	s16 =	sadd.s32 @!p1 s6, s17;
	s14 =	sshll.u32 @!p1 s14, $0x4  }
0x25: {  	s17 =	simm.s32 @!p1 $0x6400;
	s14 =	sadd.s32 @!p1 s14, s16;
	s16 =	simm.s32 @!p1 $0x40  }
0x26: {  	[tilespmem:s15], [sflag:$0x1] =	stream.strided.gather @!p1 [hbm4b:s14+s16], $0x2000, s17, s16, $0x38;
	[tilespmem:$0x8080] =	vst v63  }
0x27: {  	p1 =	sge.u32 s31, s5  }
.Ltmp2:
0x28: {  	_ = 	snop;
	(pc) =	sbr.rel @p1 .LBB1_5-.Ltmp2, $1  }
0x29: {  	_ =	sdelay $0x3  }
0x2a: {  	s14 =	simm.s32 $0x1  }
0x2b: {  	_ =	swait.ge [sflag:s4], $0x2000;
	s14 =	simm.s32 @!p0 $0x0  }
0x2c: {  	[sflag:s4] =	ssyncset.done $0x0;
	s15 =	sshll.u32 s14, $0xD  }
0x2d: {  	[sflag:s4] =	ssyncadd.s32 $0xFFFFE000;
	s18 =	sor.u32 $0x20, s15  }
0x2e: {  	s14 =	smul.u32 $0x8100, s14;
	v3 =	vld [tilespmem:s18+$0x10]  }
0x2f: {  	s30 =	sand.u32 $0x1, s11;
	v2 =	vld [tilespmem:s18+$0xFFFFFFF0]  }
0x30: {  	s15 =	smul.u32 $0x8100, s30;
	s14 =	sshrl.u32 s14, $0x2;
	v0 =	vld [tilespmem:s18+$0x0]  }
0x31: {  	v1 =	vld [tilespmem:s18+$0xFFFFFFE0];
	s16 =	sor.u32 $0x4000, s14  }
0x32: {  	s31 =	sshrl.u32 s15, $0x2;
	s15 =	sadd.s32 $0x0, s16  }
0x33: {  	s17 =	simm.s32 $0x4;
	s18 =	sadd.s32 $0x40, s18;
	s14 =	sor.u32 $0x4000, s31;
	[tilespmem:s15+$0x1830 ss:$0x81] =	vst.msk $0xffff, v3  }
.LBB1_3:
0x34: {  	v3 =	vld [tilespmem:s18+$0x10];
	p1 =	sne.s32 s17, $0x1FC;
	[tilespmem:s15+$0x810 ss:$0x81] =	vst.msk $0xffff, v2;
	s19 =	smov.u32 s17;
	s17 =	sadd.s32 $0x4, s17  }
.Ltmp3:
0x35: {  	v2 =	vld [tilespmem:s18+$0xFFFFFFF0];
	[tilespmem:s15+$0x1020 ss:$0x81] =	vst.msk $0xffff, v0;
	(pc) =	sbr.rel @p1 .LBB1_3-.Ltmp3, $4  }
0x36: {  	v0 =	vld [tilespmem:s18+$0x0];
	[tilespmem:s15+$0x0 ss:$0x81] =	vst.msk $0xffff, v1  }
0x37: {  	s15 =	sshra.s32 s19, $0x2;
	v1 =	vld [tilespmem:s18+$0xFFFFFFE0]  }
0x38: {  	s15 =	sadd.s32 s15, s16  }
0x39: {  	s18 =	sadd.s32 $0x40, s18;
	[tilespmem:s15+$0x1830 ss:$0x81] =	vst.msk $0xffff, v3  }
.Ltmp4:
0x3a: {  	_ = 	snop;
	(pc) =	sbr.rel .LBB1_4-.Ltmp4, $1  }
0x3b: {  	_ =	sdelay $0x3  }
.LBB1_6:
0x3c: {  	_ =	sfence.sel $0x180000  }
0x3d: {  	s2 =	simm.s32 $0x1;
	[bflag:$0x0] =	sbarrier.arrive $0xFFFF  }
0x3e: {  	s31 =	simm.s32 $0x2;
	[sflag:s2] =	ssyncpa.u1 $0x1  }
0x3f: {  	[sflag:s31] =	ssyncpa.u1 $0x1  }
0x40: {  	p0 =	sne.s32 s0, $0x0;
	_ =	strace $0x9000004A  }
0x41: {  	s0 =	sadd.s32 @!p0 $0x100000, s1;
	[bflag:$0x2] =	sbarrier.arrive $0xFFFF  }
0x42: {  	[sflag:s0] =	ssyncadd.tile.s32 @!p0 $0x1;
	_ =	shalt  }
.Lfunc_end1:
_tile_overlayer_lowered:
.L_overlay_start_2:
0x43: {  	(tag) =	ssettag $0x2  }
0x44: {  	s0 =	rddreg [dreg:$0x0];
	s2 =	stileid.u32  }
0x45: {  	s1 =	rddreg [dreg:$0x1];
	p0 =	sne.s32 s2, $0x0  }
0x46: {  	s3 =	rddreg [dreg:$0x2];
	[bflag:$0x3] =	sbarrier.arrive $0xFFFF;
	s2 =	simm.s32 @!p0 $0x1C01  }
0x47: {  	[timem:s3], [sflag:s2] =	dma.local @!p0 [hbm:s0], s1  }
0x48: {  	s0 =	simm.s32 @!p0 $0x1  }
0x49: {  	_ =	swait.ge @!p0 [sflag:s0], s1  }
0x4a: {  	s1 =	ssub.s32 @!p0 $0x0, s1;
	[sflag:s0] =	ssyncset.done @!p0 $0x0  }
0x4b: {  	[sflag:s0] =	ssyncadd.s32 @!p0 s1  }
0x4c: {  	[bflag:$0x3] =	sbarrier.arrive $0xFFFF  }
0x4d: {  	_ =	shalt  }

</sc_bundles>
